<compile_context>
chip_gen: v7x
topology: tpu7x:2x2x1
jax: 0.10.2.dev20260603
libtpu: 0.0.44.dev20260713+nightly
codegen_flags: <defaults>
</compile_context>

<pallas_src>
import functools

import jax
import jax.numpy as jnp
from jax import lax
from jax.experimental import pallas as pl
from jax.experimental.pallas import tpu as pltpu
from jax.experimental.pallas import tpu_sc as plsc

_F = 100000
_K = 128
_D = 64
_HID = 256
_B = 1024
_BB = 8
_NCH = 784
_NW = 32
_CH = 128
_NTOK = _B * _K


def _topk_body(x_ref, idx_ref, vals_ref, a3_ref, s3_ref, cm_ref):
    xv = x_ref[...]
    pad = jnp.full((_BB, _NCH * 128 - _F), -1.0, jnp.float32)
    sv = jnp.concatenate([xv, pad], axis=1).reshape(_BB, _NCH, 128)
    av = jnp.concatenate([jnp.abs(xv), pad], axis=1).reshape(_BB, _NCH, 128)
    a3_ref[...] = av
    s3_ref[...] = sv
    cm_ref[...] = jnp.max(av, axis=2)

    lane = lax.broadcasted_iota(jnp.int32, (1, 128), 1)
    lane8 = lax.broadcasted_iota(jnp.int32, (_BB, 128), 1)
    ch8 = lax.broadcasted_iota(jnp.int32, (_BB, _NCH), 1)

    def body(k, carry):
        idxc, valc = carry
        cmall = cm_ref[...]
        rm = jnp.max(cmall, axis=1, keepdims=True)
        gs = jnp.min(jnp.where(cmall == rm, ch8, _NCH), axis=1)
        ms = []
        vls = []
        nms = []
        for r in range(_BB):
            g = gs[r]
            chunk = a3_ref[pl.ds(r, 1), pl.ds(g, 1), :].reshape(1, 128)
            cx = jnp.max(chunk)
            m = jnp.min(jnp.where(chunk == cx, lane, 128))
            sch = s3_ref[pl.ds(r, 1), pl.ds(g, 1), :].reshape(1, 128)
            val = jnp.sum(jnp.where(lane == m, sch, 0.0))
            masked = jnp.where(lane == m, -1.0, chunk)
            a3_ref[pl.ds(r, 1), pl.ds(g, 1), :] = masked.reshape(1, 1, 128)
            ms.append(m.reshape(1, 1))
            vls.append(val.reshape(1, 1))
            nms.append(jnp.max(masked).reshape(1, 1))
        m_col = jnp.concatenate(ms, axis=0)
        v_col = jnp.concatenate(vls, axis=0)
        nm_col = jnp.concatenate(nms, axis=0)
        g_col = gs[:, None]
        cm_ref[...] = jnp.where(ch8 == g_col, nm_col, cmall)
        gi_col = g_col * 128 + m_col
        idxc = jnp.where(lane8 == k, gi_col, idxc)
        valc = jnp.where(lane8 == k, v_col, valc)
        return idxc, valc

    init_i = jnp.zeros((_BB, 128), jnp.int32)
    init_v = jnp.zeros((_BB, 128), jnp.float32)
    idxs, vs = lax.fori_loop(0, _K, body, (init_i, init_v))
    idx_ref[...] = idxs
    vals_ref[...] = vs


def _topk(x):
    return pl.pallas_call(
        _topk_body,
        grid=(_B // _BB,),
        in_specs=[pl.BlockSpec((_BB, _F), lambda i: (i, 0))],
        out_specs=[pl.BlockSpec((_BB, _K), lambda i: (i, 0)),
                   pl.BlockSpec((_BB, _K), lambda i: (i, 0))],
        out_shape=[jax.ShapeDtypeStruct((_B, _K), jnp.int32),
                   jax.ShapeDtypeStruct((_B, _K), jnp.float32)],
        scratch_shapes=[
            pltpu.VMEM((_BB, _NCH, 128), jnp.float32),
            pltpu.VMEM((_BB, _NCH, 128), jnp.float32),
            pltpu.VMEM((_BB, _NCH), jnp.float32),
        ],
    )(x)


def _sc_gather(id_table, featid):
    per_w = _NTOK // _NW
    n_chunks = per_w // _CH
    mesh = plsc.VectorSubcoreMesh(core_axis_name="c", subcore_axis_name="s")

    @functools.partial(
        pl.kernel,
        mesh=mesh,
        compiler_params=pltpu.CompilerParams(use_tc_tiling_on_sc=False),
        out_type=jax.ShapeDtypeStruct((_NTOK, _D), jnp.float32),
        scratch_types=[
            pltpu.VMEM((_CH,), jnp.int32),
            pltpu.VMEM((_CH, _D), jnp.float32),
            pltpu.SemaphoreType.DMA,
        ],
    )
    def k(tab_hbm, featid_hbm, emb_hbm, fidx_v, emb_v, sem):
        wid = lax.axis_index("s") * 2 + lax.axis_index("c")
        base_w = wid * per_w

        def body(c, carry):
            base = base_w + c * _CH
            pltpu.sync_copy(featid_hbm.at[pl.ds(base, _CH)], fidx_v)
            pltpu.async_copy(tab_hbm.at[fidx_v], emb_v, sem).wait()
            pltpu.sync_copy(emb_v, emb_hbm.at[pl.ds(base, _CH)])
            return carry

        lax.fori_loop(0, n_chunks, body, 0)

    return k(id_table, featid)


def _mlp_body(vals_ref, emb_ref, w1t_ref, b1_ref, w2t_ref, b2_ref, out_ref):
    v = vals_ref[...].reshape(1, _K)
    r = (lax.broadcasted_iota(jnp.int32, (1, _K), 1).astype(jnp.float32)
         * (1.0 / float(_K - 1)))
    d = (v == 0.0).astype(jnp.float32)
    mu = (v + r + d) * (1.0 / 3.0)
    vc = v - mu
    rc = r - mu
    dc = d - mu
    var = (vc * vc + rc * rc + dc * dc) * (1.0 / 3.0)
    inv = lax.rsqrt(var + 1e-5)
    vn = vc * inv
    rn = rc * inv
    dn = dc * inv
    w1t = w1t_ref[...]
    h = (w1t[:, 0:1] * vn + w1t[:, 1:2] * rn + w1t[:, 2:3] * dn
         + b1_ref[...])
    g = 0.5 * h * (1.0 + lax.erf(h * 0.7071067811865476))
    ve = jnp.dot(w2t_ref[...], g,
                 preferred_element_type=jnp.float32) + b2_ref[...]
    out = jnp.transpose(ve) + emb_ref[...].reshape(_K, _D)
    out_ref[...] = out.reshape(1, _K, _D)


def _mlp(vals, emb3, w1t, b1c, w2t, b2c):
    return pl.pallas_call(
        _mlp_body,
        grid=(_B,),
        in_specs=[
            pl.BlockSpec((1, 1, _K), lambda i: (i, 0, 0)),
            pl.BlockSpec((1, _K, _D), lambda i: (i, 0, 0)),
            pl.BlockSpec((_HID, 3), lambda i: (0, 0)),
            pl.BlockSpec((_HID, 1), lambda i: (0, 0)),
            pl.BlockSpec((_D, _HID), lambda i: (0, 0)),
            pl.BlockSpec((_D, 1), lambda i: (0, 0)),
        ],
        out_specs=pl.BlockSpec((1, _K, _D), lambda i: (i, 0, 0)),
        out_shape=jax.ShapeDtypeStruct((_B, _K, _D), jnp.float32),
    )(vals.reshape(_B, 1, _K), emb3, w1t, b1c, w2t, b2c)


def kernel(x, id_table, ln_g, ln_b, W1, b1, W2, b2):
    idx, vals = _topk(x)

    emb = _sc_gather(id_table, idx.reshape(-1))

    w1g = ln_g[:, None] * W1
    b1f = ln_b @ W1 + b1
    w1t = jnp.transpose(w1g)
    w2t = jnp.transpose(W2)

    emb3 = emb.reshape(_B, _K, _D)
    return _mlp(vals, emb3, w1t, b1f[:, None], w2t, b2[:, None])

# --- scband reference (transcript-rebuilt; emitter-appended) ---
"""Pipeline reference for scband-top-kembedded-tokenizer-58995670778120 (READ-ONLY COPY).

The authoritative reference and input builder live on the scoring server;
editing this copy changes nothing except your own understanding.
"""

import jax, jax.numpy as jnp
import numpy as np

N_FEATURES = 100000
N_TOKENS = 128
D_MODEL = 64
HID = 256
BATCH = 1024


def setup_inputs(seed: int = 0) -> dict:
    key = jax.random.key(seed)
    ks = jax.random.split(key, 6)
    x = jax.random.normal(ks[0], (BATCH, N_FEATURES), dtype=jnp.float32)
    id_table = jax.random.normal(ks[1], (N_FEATURES, D_MODEL), dtype=jnp.float32) * 0.02
    ln_g = jnp.ones((3,), dtype=jnp.float32)
    ln_b = jnp.zeros((3,), dtype=jnp.float32)
    W1 = jax.random.normal(ks[2], (3, HID), dtype=jnp.float32) * 0.1
    b1 = jnp.zeros((HID,), dtype=jnp.float32)
    W2 = jax.random.normal(ks[3], (HID, D_MODEL), dtype=jnp.float32) * 0.05
    b2 = jnp.zeros((D_MODEL,), dtype=jnp.float32)
    return {"x": x, "id_table": id_table, "ln_g": ln_g, "ln_b": ln_b,
            "W1": W1, "b1": b1, "W2": W2, "b2": b2}


def reference(x, id_table, ln_g, ln_b, W1, b1, W2, b2):
    B, F = x.shape
    K = min(N_TOKENS, F)
    # top-k by absolute value, sorted descending (matches torch.topk largest=True, sorted=True)
    _, idx = jax.lax.top_k(jnp.abs(x), K)
    vals = jnp.take_along_axis(x, idx, axis=1)
    # channels: value, rank, dropout
    rank = jnp.broadcast_to((jnp.arange(K, dtype=vals.dtype) / max(K - 1, 1))[None, :], (B, K))
    drop = (vals == 0).astype(vals.dtype)
    ch = jnp.stack([vals, rank, drop], axis=-1)  # (B, K, 3)
    # LayerNorm over last dim (eps=1e-5, torch default)
    mu = jnp.mean(ch, axis=-1, keepdims=True)
    var = jnp.var(ch, axis=-1, keepdims=True)
    h = (ch - mu) / jnp.sqrt(var + 1e-5) * ln_g + ln_b
    # Linear -> GELU(exact) -> Linear
    h = h @ W1 + b1
    h = jax.nn.gelu(h, approximate=False)
    val_emb = h @ W2 + b2
    # feature identity embedding gather
    id_emb = jnp.take(id_table, idx, axis=0)  # (B, K, D_MODEL)
    tokens = id_emb + val_emb
    return tokens

if __name__ == "__main__":
    import jax
    _d = setup_inputs()
    print(jax.jit(kernel)(*tuple(_d.values())))

</pallas_src>

<mosaic_0001>
#map = affine_map<(d0, d1) -> (0, 0)>
#map1 = affine_map<(d0, d1) -> (0)>
module attributes {stable_mosaic.version = 14 : i64} {
  func.func @k(%arg0: i32, %arg1: i32, %arg2: memref<100000x64xf32, #tpu.memory_space<hbm>>, %arg3: memref<131072xi32, #tpu.memory_space<hbm>>, %arg4: memref<131072x64xf32, #tpu.memory_space<hbm>>, %arg5: memref<128xi32, #tpu.memory_space<vmem>>, %arg6: memref<128x64xf32, #tpu.memory_space<vmem>>, %arg7: memref<!tpu.dma_semaphore, #tpu.memory_space<semaphore_mem>>) attributes {dimension_semantics = [#tpu.dimension_semantics<core_parallel>, #tpu.dimension_semantics<subcore_parallel>], iteration_bounds = array<i64: 2, 16>, scalar_prefetch = 0 : i64, scratch_operands = 3 : i64, tpu.core_type = #tpu.core_type<sc_vector_subcore>, window_params = [{transform_indices = #map}, {transform_indices = #map1}, {transform_indices = #map}]} {
    %mul3A = arith.constant 2 : i32
    %mul3A_0 = arith.muli %arg1, %mul3A : i32
    %add3A = arith.addi %mul3A_0, %arg0 : i32
    %mul3A_1 = arith.constant 4096 : i32
    %mul3A_2 = arith.muli %add3A, %mul3A_1 : i32
    %scan3A = arith.constant 0 : i32
    %scan3A_3 = arith.constant 0 : i32
    %scan3A_4 = arith.constant 32 : i32
    %scan3A_5 = arith.addi %scan3A_3, %scan3A_4 : i32
    %scan3A_6 = arith.constant 1 : i32
    scf.for %scan3A_8 = %scan3A_3 to %scan3A_5 step %scan3A_6  : i32 {
      %mul3A_9 = arith.constant 128 : i32
      %mul3A_10 = arith.muli %scan3A_8, %mul3A_9 : i32
      %add3A_11 = arith.addi %mul3A_2, %mul3A_10 : i32
      "tpu.region"() ({
        %run_scoped3A = tpu.sem_alloc : memref<!tpu.dma_semaphore, #tpu.memory_space<semaphore_mem>>
        %dma_start3A_16 = tpu.memref_slice %arg3[%add3A_11] : memref<131072xi32, #tpu.memory_space<hbm>> -> memref<128xi32, #tpu.memory_space<hbm>>
        %dma_start3A_17 = tpu.memref_slice %arg3[%add3A_11] : memref<131072xi32, #tpu.memory_space<hbm>> -> memref<128xi32, #tpu.memory_space<hbm>>
        tpu.enqueue_dma source(%dma_start3A_17 : memref<128xi32, #tpu.memory_space<hbm>>) target(%arg5 : memref<128xi32, #tpu.memory_space<vmem>>) target_semaphore(%run_scoped3A : memref<!tpu.dma_semaphore, #tpu.memory_space<semaphore_mem>>)
        %dma_wait3A_18 = tpu.memref_slice %arg3[%add3A_11] : memref<131072xi32, #tpu.memory_space<hbm>> -> memref<128xi32, #tpu.memory_space<hbm>>
        %dma_wait3A_19 = tpu.memref_slice %arg3[%add3A_11] : memref<131072xi32, #tpu.memory_space<hbm>> -> memref<128xi32, #tpu.memory_space<hbm>>
        tpu.wait_dma2 semaphore(%run_scoped3A : memref<!tpu.dma_semaphore, #tpu.memory_space<semaphore_mem>>) src(%dma_wait3A_19 : memref<128xi32, #tpu.memory_space<hbm>>) dst(%arg5 : memref<128xi32, #tpu.memory_space<vmem>>)
        tpu.yield
      }) : () -> ()
      %dma_start3A = arith.constant 0 : i32
      %dma_start3A_12 = arith.constant 0 : i32
      %dma_start3A_13 = tpu.memref_slice %arg2[%dma_start3A, %dma_start3A_12] : memref<100000x64xf32, #tpu.memory_space<hbm>> -> memref<100000x64xf32, #tpu.memory_space<hbm>>
      tpu.enqueue_indirect_dma source(%dma_start3A_13 : memref<100000x64xf32, #tpu.memory_space<hbm>>) target(%arg6 : memref<128x64xf32, #tpu.memory_space<vmem>>) offsets(%arg5 : memref<128xi32, #tpu.memory_space<vmem>>) semaphore(%arg7 : memref<!tpu.dma_semaphore, #tpu.memory_space<semaphore_mem>>)
      %dma_wait3A = arith.constant 0 : i32
      %dma_wait3A_14 = arith.constant 0 : i32
      %dma_wait3A_15 = tpu.memref_slice %arg2[%dma_wait3A, %dma_wait3A_14] : memref<100000x64xf32, #tpu.memory_space<hbm>> -> memref<100000x64xf32, #tpu.memory_space<hbm>>
      tpu.wait_indirect_dma semaphore(%arg7 : memref<!tpu.dma_semaphore, #tpu.memory_space<semaphore_mem>>) src(%dma_wait3A_15 : memref<100000x64xf32, #tpu.memory_space<hbm>>) dst(%arg6 : memref<128x64xf32, #tpu.memory_space<vmem>>)
      "tpu.region"() ({
        %run_scoped3A = tpu.sem_alloc : memref<!tpu.dma_semaphore, #tpu.memory_space<semaphore_mem>>
        %dma_start3A_16 = arith.constant 0 : i32
        %dma_start3A_17 = tpu.memref_slice %arg4[%add3A_11, %dma_start3A_16] : memref<131072x64xf32, #tpu.memory_space<hbm>> -> memref<128x64xf32, #tpu.memory_space<hbm>>
        %dma_start3A_18 = arith.constant 0 : i32
        %dma_start3A_19 = tpu.memref_slice %arg4[%add3A_11, %dma_start3A_18] : memref<131072x64xf32, #tpu.memory_space<hbm>> -> memref<128x64xf32, #tpu.memory_space<hbm>>
        tpu.enqueue_dma source(%arg6 : memref<128x64xf32, #tpu.memory_space<vmem>>) target(%dma_start3A_19 : memref<128x64xf32, #tpu.memory_space<hbm>>) target_semaphore(%run_scoped3A : memref<!tpu.dma_semaphore, #tpu.memory_space<semaphore_mem>>)
        %dma_wait3A_20 = arith.constant 0 : i32
        %dma_wait3A_21 = tpu.memref_slice %arg4[%add3A_11, %dma_wait3A_20] : memref<131072x64xf32, #tpu.memory_space<hbm>> -> memref<128x64xf32, #tpu.memory_space<hbm>>
        %dma_wait3A_22 = arith.constant 0 : i32
        %dma_wait3A_23 = tpu.memref_slice %arg4[%add3A_11, %dma_wait3A_22] : memref<131072x64xf32, #tpu.memory_space<hbm>> -> memref<128x64xf32, #tpu.memory_space<hbm>>
        tpu.wait_dma2 semaphore(%run_scoped3A : memref<!tpu.dma_semaphore, #tpu.memory_space<semaphore_mem>>) src(%arg6 : memref<128x64xf32, #tpu.memory_space<vmem>>) dst(%dma_wait3A_23 : memref<128x64xf32, #tpu.memory_space<hbm>>)
        tpu.yield
      }) : () -> ()
    }
    %scan3A_7 = arith.constant 32 : i32
    return
  }
}

module attributes {stable_mosaic.version = 14 : i64} {
  func.func @_topk_body(%arg0: i32, %arg1: memref<8x100000xf32, #tpu.memory_space<vmem>>, %arg2: memref<8x128xi32, #tpu.memory_space<vmem>>, %arg3: memref<8x128xf32, #tpu.memory_space<vmem>>, %arg4: memref<8x784x128xf32, #tpu.memory_space<vmem>>, %arg5: memref<8x784x128xf32, #tpu.memory_space<vmem>>, %arg6: memref<8x784xf32, #tpu.memory_space<vmem>>) attributes {dimension_semantics = [#tpu.dimension_semantics<arbitrary>], iteration_bounds = array<i64: 128>, scalar_prefetch = 0 : i64, scratch_operands = 3 : i64, tpu.core_type = #tpu.core_type<tc>, window_params = [{transform_indices = @transform_0, window_bounds = array<i64: 8, 100000>}, {transform_indices = @transform_1, window_bounds = array<i64: 8, 128>}, {transform_indices = @transform_2, window_bounds = array<i64: 8, 128>}]} {
    %get3A = arith.constant 0 : index
    %get3A_0 = arith.constant 0 : index
    %get3A_1 = vector.load %arg1[%get3A, %get3A_0] : memref<8x100000xf32, #tpu.memory_space<vmem>>, vector<8x100000xf32>
    %broadcast_in_dim3A = arith.constant -1.000000e+00 : f32
    %broadcast_in_dim3A_2 = vector.broadcast %broadcast_in_dim3A : f32 to vector<8x352xf32>
    %concatenate3A = tpu.concatenate %get3A_1, %broadcast_in_dim3A_2 in 1 : vector<8x100000xf32>, vector<8x352xf32> -> vector<8x100352xf32>
    %reshape3A = vector.shape_cast %concatenate3A : vector<8x100352xf32> to vector<8x784x128xf32>
    %abs3A = math.absf %get3A_1 : vector<8x100000xf32>
    %concatenate3A_3 = tpu.concatenate %abs3A, %broadcast_in_dim3A_2 in 1 : vector<8x100000xf32>, vector<8x352xf32> -> vector<8x100352xf32>
    %reshape3A_4 = vector.shape_cast %concatenate3A_3 : vector<8x100352xf32> to vector<8x784x128xf32>
    %swap3A = arith.constant 0 : index
    %swap3A_5 = arith.constant 0 : index
    %swap3A_6 = arith.constant 0 : index
    %swap3A_7 = vector.load %arg4[%swap3A, %swap3A_5, %swap3A_6] : memref<8x784x128xf32, #tpu.memory_space<vmem>>, vector<8x784x128xf32>
    tpu.vector_store %arg4[%swap3A, %swap3A_5, %swap3A_6], %reshape3A_4 {strides = array<i32>} : memref<8x784x128xf32, #tpu.memory_space<vmem>>, vector<8x784x128xf32>,
    %swap3A_8 = arith.constant 0 : index
    %swap3A_9 = arith.constant 0 : index
    %swap3A_10 = arith.constant 0 : index
    %swap3A_11 = vector.load %arg5[%swap3A_8, %swap3A_9, %swap3A_10] : memref<8x784x128xf32, #tpu.memory_space<vmem>>, vector<8x784x128xf32>
    tpu.vector_store %arg5[%swap3A_8, %swap3A_9, %swap3A_10], %reshape3A {strides = array<i32>} : memref<8x784x128xf32, #tpu.memory_space<vmem>>, vector<8x784x128xf32>,
    %reduce_max3A = arith.constant dense<0xFF800000> : vector<8x784xf32>
    %reduce_max3A_12 = vector.multi_reduction <maximumf>, %reshape3A_4, %reduce_max3A [2] : vector<8x784x128xf32> to vector<8x784xf32>
    %swap3A_13 = arith.constant 0 : index
    %swap3A_14 = arith.constant 0 : index
    %swap3A_15 = vector.load %arg6[%swap3A_13, %swap3A_14] : memref<8x784xf32, #tpu.memory_space<vmem>>, vector<8x784xf32>
    tpu.vector_store %arg6[%swap3A_13, %swap3A_14], %reduce_max3A_12 {strides = array<i32>} : memref<8x784xf32, #tpu.memory_space<vmem>>, vector<8x784xf32>,
    %iota3A = tpu.iota {dimensions = array<i32: 1>} : vector<1x128xi32>
    %iota3A_16 = tpu.iota {dimensions = array<i32: 1>} : vector<8x128xi32>
    %iota3A_17 = tpu.iota {dimensions = array<i32: 1>} : vector<8x784xi32>
    %broadcast_in_dim3A_18 = arith.constant 0 : i32
    %broadcast_in_dim3A_19 = vector.broadcast %broadcast_in_dim3A_18 : i32 to vector<8x128xi32>
    %broadcast_in_dim3A_20 = arith.constant 0.000000e+00 : f32
    %broadcast_in_dim3A_21 = vector.broadcast %broadcast_in_dim3A_20 : f32 to vector<8x128xf32>
    %scan3A = arith.constant 0 : i32
    %scan3A_22 = arith.constant 128 : i32
    %scan3A_23 = arith.addi %scan3A, %scan3A_22 : i32
    %scan3A_24 = arith.constant 1 : i32
    %scan3A_25:2 = scf.for %scan3A_33 = %scan3A to %scan3A_23 step %scan3A_24 iter_args(%scan3A_34 = %broadcast_in_dim3A_19, %scan3A_35 = %broadcast_in_dim3A_21) -> (vector<8x128xi32>, vector<8x128xf32>)  : i32 {
      %get3A_36 = arith.constant 0 : index
      %get3A_37 = arith.constant 0 : index
      %get3A_38 = vector.load %arg6[%get3A_36, %get3A_37] : memref<8x784xf32, #tpu.memory_space<vmem>>, vector<8x784xf32>
      %reduce_max3A_39 = arith.constant dense<0xFF800000> : vector<8xf32>
      %reduce_max3A_40 = vector.multi_reduction <maximumf>, %get3A_38, %reduce_max3A_39 [1] : vector<8x784xf32> to vector<8xf32>
      %broadcast_in_dim3A_41 = vector.shape_cast %reduce_max3A_40 : vector<8xf32> to vector<8x1xf32>
      %eq3A = vector.broadcast %broadcast_in_dim3A_41 : vector<8x1xf32> to vector<8x784xf32>
      %eq3A_42 = arith.cmpf oeq, %get3A_38, %eq3A : vector<8x784xf32>
      %jit3A = arith.constant 784 : i32
      %broadcast_in_dim3A_43 = vector.broadcast %jit3A : i32 to vector<8x784xi32>
      %select_n3A = arith.select %eq3A_42, %iota3A_17, %broadcast_in_dim3A_43 : vector<8x784xi1>, vector<8x784xi32>
      %reduce_min3A = arith.constant dense<2147483647> : vector<8xi32>
      %reduce_min3A_44 = vector.multi_reduction <minsi>, %select_n3A, %reduce_min3A [1] : vector<8x784xi32> to vector<8xi32>
      %slice3A = vector.extract_strided_slice %reduce_min3A_44 {offsets = [0], sizes = [1], strides = [1]} : vector<8xi32> to vector<1xi32>
      %squeeze3A = vector.extract %slice3A[0] : i32 from vector<1xi32>
      %get3A_45 = arith.constant 0 : index
      %get3A_46 = arith.index_cast %squeeze3A : i32 to index
      %get3A_47 = arith.constant 0 : index
      %get3A_48 = vector.load %arg4[%get3A_45, %get3A_46, %get3A_47] : memref<8x784x128xf32, #tpu.memory_space<vmem>>, vector<1x1x128xf32>
      %reshape3A_49 = vector.shape_cast %get3A_48 : vector<1x1x128xf32> to vector<1x128xf32>
      %reduce_max3A_50 = vector.shape_cast %reshape3A_49 : vector<1x128xf32> to vector<1x1x128xf32>
      %reduce_max3A_51 = arith.constant dense<0xFF800000> : vector<1xf32>
      %reduce_max3A_52 = vector.multi_reduction <maximumf>, %reduce_max3A_50, %reduce_max3A_51 [1, 2] : vector<1x1x128xf32> to vector<1xf32>
      %reduce_max3A_53 = vector.shape_cast %reduce_max3A_52 : vector<1xf32> to vector<1x1x1xf32>
      %reduce_max3A_54 = vector.extract %reduce_max3A_53[0, 0, 0] : f32 from vector<1x1x1xf32>
      %eq3A_55 = vector.broadcast %reduce_max3A_54 : f32 to vector<1x128xf32>
      %eq3A_56 = arith.cmpf oeq, %reshape3A_49, %eq3A_55 : vector<1x128xf32>
      %jit3A_57 = arith.constant 128 : i32
      %broadcast_in_dim3A_58 = vector.broadcast %jit3A_57 : i32 to vector<1x128xi32>
      %select_n3A_59 = arith.select %eq3A_56, %iota3A, %broadcast_in_dim3A_58 : vector<1x128xi1>, vector<1x128xi32>
      %reduce_min3A_60 = vector.shape_cast %select_n3A_59 : vector<1x128xi32> to vector<1x1x128xi32>
      %reduce_min3A_61 = arith.constant dense<2147483647> : vector<1xi32>
      %reduce_min3A_62 = vector.multi_reduction <minsi>, %reduce_min3A_60, %reduce_min3A_61 [1, 2] : vector<1x1x128xi32> to vector<1xi32>
      %reduce_min3A_63 = vector.shape_cast %reduce_min3A_62 : vector<1xi32> to vector<1x1x1xi32>
      %reduce_min3A_64 = vector.extract %reduce_min3A_63[0, 0, 0] : i32 from vector<1x1x1xi32>
      %get3A_65 = arith.constant 0 : index
      %get3A_66 = arith.index_cast %squeeze3A : i32 to index
      %get3A_67 = arith.constant 0 : index
      %get3A_68 = vector.load %arg5[%get3A_65, %get3A_66, %get3A_67] : memref<8x784x128xf32, #tpu.memory_space<vmem>>, vector<1x1x128xf32>
      %reshape3A_69 = vector.shape_cast %get3A_68 : vector<1x1x128xf32> to vector<1x128xf32>
      %eq3A_70 = vector.broadcast %reduce_min3A_64 : i32 to vector<1x128xi32>
      %eq3A_71 = arith.cmpi eq, %iota3A, %eq3A_70 : vector<1x128xi32>
      %jit3A_72 = arith.constant 0.000000e+00 : f32
      %broadcast_in_dim3A_73 = vector.broadcast %jit3A_72 : f32 to vector<1x128xf32>
      %select_n3A_74 = arith.select %eq3A_71, %reshape3A_69, %broadcast_in_dim3A_73 : vector<1x128xi1>, vector<1x128xf32>
      %reduce_sum3A = vector.shape_cast %select_n3A_74 : vector<1x128xf32> to vector<1x1x128xf32>
      %reduce_sum3A_75 = arith.constant dense<0.000000e+00> : vector<1xf32>
      %reduce_sum3A_76 = vector.multi_reduction <add>, %reduce_sum3A, %reduce_sum3A_75 [1, 2] : vector<1x1x128xf32> to vector<1xf32>
      %reduce_sum3A_77 = vector.shape_cast %reduce_sum3A_76 : vector<1xf32> to vector<1x1x1xf32>
      %reduce_sum3A_78 = vector.extract %reduce_sum3A_77[0, 0, 0] : f32 from vector<1x1x1xf32>
      %eq3A_79 = vector.broadcast %reduce_min3A_64 : i32 to vector<1x128xi32>
      %eq3A_80 = arith.cmpi eq, %iota3A, %eq3A_79 : vector<1x128xi32>
      %jit3A_81 = arith.constant -1.000000e+00 : f32
      %broadcast_in_dim3A_82 = vector.broadcast %jit3A_81 : f32 to vector<1x128xf32>
      %select_n3A_83 = arith.select %eq3A_80, %broadcast_in_dim3A_82, %reshape3A_49 : vector<1x128xi1>, vector<1x128xf32>
      %reshape3A_84 = vector.shape_cast %select_n3A_83 : vector<1x128xf32> to vector<1x1x128xf32>
      %swap3A_85 = arith.constant 0 : index
      %swap3A_86 = arith.index_cast %squeeze3A : i32 to index
      %swap3A_87 = arith.constant 0 : index
      %swap3A_88 = vector.load %arg4[%swap3A_85, %swap3A_86, %swap3A_87] : memref<8x784x128xf32, #tpu.memory_space<vmem>>, vector<1x1x128xf32>
      tpu.vector_store %arg4[%swap3A_85, %swap3A_86, %swap3A_87], %reshape3A_84 {strides = array<i32>} : memref<8x784x128xf32, #tpu.memory_space<vmem>>, vector<1x1x128xf32>,
      %reshape3A_89 = vector.broadcast %reduce_min3A_64 : i32 to vector<1x1xi32>
      %reshape3A_90 = vector.broadcast %reduce_sum3A_78 : f32 to vector<1x1xf32>
      %reduce_max3A_91 = vector.shape_cast %select_n3A_83 : vector<1x128xf32> to vector<1x1x128xf32>
      %reduce_max3A_92 = arith.constant dense<0xFF800000> : vector<1xf32>
      %reduce_max3A_93 = vector.multi_reduction <maximumf>, %reduce_max3A_91, %reduce_max3A_92 [1, 2] : vector<1x1x128xf32> to vector<1xf32>
      %reduce_max3A_94 = vector.shape_cast %reduce_max3A_93 : vector<1xf32> to vector<1x1x1xf32>
      %reduce_max3A_95 = vector.extract %reduce_max3A_94[0, 0, 0] : f32 from vector<1x1x1xf32>
      %reshape3A_96 = vector.broadcast %reduce_max3A_95 : f32 to vector<1x1xf32>
      %slice3A_97 = vector.extract_strided_slice %reduce_min3A_44 {offsets = [1], sizes = [1], strides = [1]} : vector<8xi32> to vector<1xi32>
      %squeeze3A_98 = vector.extract %slice3A_97[0] : i32 from vector<1xi32>
      %get3A_99 = arith.constant 1 : index
      %get3A_100 = arith.index_cast %squeeze3A_98 : i32 to index
      %get3A_101 = arith.constant 0 : index
      %get3A_102 = vector.load %arg4[%get3A_99, %get3A_100, %get3A_101] : memref<8x784x128xf32, #tpu.memory_space<vmem>>, vector<1x1x128xf32>
      %reshape3A_103 = vector.shape_cast %get3A_102 : vector<1x1x128xf32> to vector<1x128xf32>
      %reduce_max3A_104 = vector.shape_cast %reshape3A_103 : vector<1x128xf32> to vector<1x1x128xf32>
      %reduce_max3A_105 = arith.constant dense<0xFF800000> : vector<1xf32>
      %reduce_max3A_106 = vector.multi_reduction <maximumf>, %reduce_max3A_104, %reduce_max3A_105 [1, 2] : vector<1x1x128xf32> to vector<1xf32>
      %reduce_max3A_107 = vector.shape_cast %reduce_max3A_106 : vector<1xf32> to vector<1x1x1xf32>
      %reduce_max3A_108 = vector.extract %reduce_max3A_107[0, 0, 0] : f32 from vector<1x1x1xf32>
      %eq3A_109 = vector.broadcast %reduce_max3A_108 : f32 to vector<1x128xf32>
      %eq3A_110 = arith.cmpf oeq, %reshape3A_103, %eq3A_109 : vector<1x128xf32>
      %jit3A_111 = arith.constant 128 : i32
      %broadcast_in_dim3A_112 = vector.broadcast %jit3A_111 : i32 to vector<1x128xi32>
      %select_n3A_113 = arith.select %eq3A_110, %iota3A, %broadcast_in_dim3A_112 : vector<1x128xi1>, vector<1x128xi32>
      %reduce_min3A_114 = vector.shape_cast %select_n3A_113 : vector<1x128xi32> to vector<1x1x128xi32>
      %reduce_min3A_115 = arith.constant dense<2147483647> : vector<1xi32>
      %reduce_min3A_116 = vector.multi_reduction <minsi>, %reduce_min3A_114, %reduce_min3A_115 [1, 2] : vector<1x1x128xi32> to vector<1xi32>
      %reduce_min3A_117 = vector.shape_cast %reduce_min3A_116 : vector<1xi32> to vector<1x1x1xi32>
      %reduce_min3A_118 = vector.extract %reduce_min3A_117[0, 0, 0] : i32 from vector<1x1x1xi32>
      %get3A_119 = arith.constant 1 : index
      %get3A_120 = arith.index_cast %squeeze3A_98 : i32 to index
      %get3A_121 = arith.constant 0 : index
      %get3A_122 = vector.load %arg5[%get3A_119, %get3A_120, %get3A_121] : memref<8x784x128xf32, #tpu.memory_space<vmem>>, vector<1x1x128xf32>
      %reshape3A_123 = vector.shape_cast %get3A_122 : vector<1x1x128xf32> to vector<1x128xf32>
      %eq3A_124 = vector.broadcast %reduce_min3A_118 : i32 to vector<1x128xi32>
      %eq3A_125 = arith.cmpi eq, %iota3A, %eq3A_124 : vector<1x128xi32>
      %jit3A_126 = arith.constant 0.000000e+00 : f32
      %broadcast_in_dim3A_127 = vector.broadcast %jit3A_126 : f32 to vector<1x128xf32>
      %select_n3A_128 = arith.select %eq3A_125, %reshape3A_123, %broadcast_in_dim3A_127 : vector<1x128xi1>, vector<1x128xf32>
      %reduce_sum3A_129 = vector.shape_cast %select_n3A_128 : vector<1x128xf32> to vector<1x1x128xf32>
      %reduce_sum3A_130 = arith.constant dense<0.000000e+00> : vector<1xf32>
      %reduce_sum3A_131 = vector.multi_reduction <add>, %reduce_sum3A_129, %reduce_sum3A_130 [1, 2] : vector<1x1x128xf32> to vector<1xf32>
      %reduce_sum3A_132 = vector.shape_cast %reduce_sum3A_131 : vector<1xf32> to vector<1x1x1xf32>
      %reduce_sum3A_133 = vector.extract %reduce_sum3A_132[0, 0, 0] : f32 from vector<1x1x1xf32>
      %eq3A_134 = vector.broadcast %reduce_min3A_118 : i32 to vector<1x128xi32>
      %eq3A_135 = arith.cmpi eq, %iota3A, %eq3A_134 : vector<1x128xi32>
      %jit3A_136 = arith.constant -1.000000e+00 : f32
      %broadcast_in_dim3A_137 = vector.broadcast %jit3A_136 : f32 to vector<1x128xf32>
      %select_n3A_138 = arith.select %eq3A_135, %broadcast_in_dim3A_137, %reshape3A_103 : vector<1x128xi1>, vector<1x128xf32>
      %reshape3A_139 = vector.shape_cast %select_n3A_138 : vector<1x128xf32> to vector<1x1x128xf32>
      %swap3A_140 = arith.constant 1 : index
      %swap3A_141 = arith.index_cast %squeeze3A_98 : i32 to index
      %swap3A_142 = arith.constant 0 : index
      %swap3A_143 = vector.load %arg4[%swap3A_140, %swap3A_141, %swap3A_142] : memref<8x784x128xf32, #tpu.memory_space<vmem>>, vector<1x1x128xf32>
      tpu.vector_store %arg4[%swap3A_140, %swap3A_141, %swap3A_142], %reshape3A_139 {strides = array<i32>} : memref<8x784x128xf32, #tpu.memory_space<vmem>>, vector<1x1x128xf32>,
      %reshape3A_144 = vector.broadcast %reduce_min3A_118 : i32 to vector<1x1xi32>
      %reshape3A_145 = vector.broadcast %reduce_sum3A_133 : f32 to vector<1x1xf32>
      %reduce_max3A_146 = vector.shape_cast %select_n3A_138 : vector<1x128xf32> to vector<1x1x128xf32>
      %reduce_max3A_147 = arith.constant dense<0xFF800000> : vector<1xf32>
      %reduce_max3A_148 = vector.multi_reduction <maximumf>, %reduce_max3A_146, %reduce_max3A_147 [1, 2] : vector<1x1x128xf32> to vector<1xf32>
      %reduce_max3A_149 = vector.shape_cast %reduce_max3A_148 : vector<1xf32> to vector<1x1x1xf32>
      %reduce_max3A_150 = vector.extract %reduce_max3A_149[0, 0, 0] : f32 from vector<1x1x1xf32>
      %reshape3A_151 = vector.broadcast %reduce_max3A_150 : f32 to vector<1x1xf32>
      %slice3A_152 = vector.extract_strided_slice %reduce_min3A_44 {offsets = [2], sizes = [1], strides = [1]} : vector<8xi32> to vector<1xi32>
      %squeeze3A_153 = vector.extract %slice3A_152[0] : i32 from vector<1xi32>
      %get3A_154 = arith.constant 2 : index
      %get3A_155 = arith.index_cast %squeeze3A_153 : i32 to index
      %get3A_156 = arith.constant 0 : index
      %get3A_157 = vector.load %arg4[%get3A_154, %get3A_155, %get3A_156] : memref<8x784x128xf32, #tpu.memory_space<vmem>>, vector<1x1x128xf32>
      %reshape3A_158 = vector.shape_cast %get3A_157 : vector<1x1x128xf32> to vector<1x128xf32>
      %reduce_max3A_159 = vector.shape_cast %reshape3A_158 : vector<1x128xf32> to vector<1x1x128xf32>
      %reduce_max3A_160 = arith.constant dense<0xFF800000> : vector<1xf32>
      %reduce_max3A_161 = vector.multi_reduction <maximumf>, %reduce_max3A_159, %reduce_max3A_160 [1, 2] : vector<1x1x128xf32> to vector<1xf32>
      %reduce_max3A_162 = vector.shape_cast %reduce_max3A_161 : vector<1xf32> to vector<1x1x1xf32>
      %reduce_max3A_163 = vector.extract %reduce_max3A_162[0, 0, 0] : f32 from vector<1x1x1xf32>
      %eq3A_164 = vector.broadcast %reduce_max3A_163 : f32 to vector<1x128xf32>
      %eq3A_165 = arith.cmpf oeq, %reshape3A_158, %eq3A_164 : vector<1x128xf32>
      %jit3A_166 = arith.constant 128 : i32
      %broadcast_in_dim3A_167 = vector.broadcast %jit3A_166 : i32 to vector<1x128xi32>
      %select_n3A_168 = arith.select %eq3A_165, %iota3A, %broadcast_in_dim3A_167 : vector<1x128xi1>, vector<1x128xi32>
      %reduce_min3A_169 = vector.shape_cast %select_n3A_168 : vector<1x128xi32> to vector<1x1x128xi32>
      %reduce_min3A_170 = arith.constant dense<2147483647> : vector<1xi32>
      %reduce_min3A_171 = vector.multi_reduction <minsi>, %reduce_min3A_169, %reduce_min3A_170 [1, 2] : vector<1x1x128xi32> to vector<1xi32>
      %reduce_min3A_172 = vector.shape_cast %reduce_min3A_171 : vector<1xi32> to vector<1x1x1xi32>
      %reduce_min3A_173 = vector.extract %reduce_min3A_172[0, 0, 0] : i32 from vector<1x1x1xi32>
      %get3A_174 = arith.constant 2 : index
      %get3A_175 = arith.index_cast %squeeze3A_153 : i32 to index
      %get3A_176 = arith.constant 0 : index
      %get3A_177 = vector.load %arg5[%get3A_174, %get3A_175, %get3A_176] : memref<8x784x128xf32, #tpu.memory_space<vmem>>, vector<1x1x128xf32>
      %reshape3A_178 = vector.shape_cast %get3A_177 : vector<1x1x128xf32> to vector<1x128xf32>
      %eq3A_179 = vector.broadcast %reduce_min3A_173 : i32 to vector<1x128xi32>
      %eq3A_180 = arith.cmpi eq, %iota3A, %eq3A_179 : vector<1x128xi32>
      %jit3A_181 = arith.constant 0.000000e+00 : f32
      %broadcast_in_dim3A_182 = vector.broadcast %jit3A_181 : f32 to vector<1x128xf32>
      %select_n3A_183 = arith.select %eq3A_180, %reshape3A_178, %broadcast_in_dim3A_182 : vector<1x128xi1>, vector<1x128xf32>
      %reduce_sum3A_184 = vector.shape_cast %select_n3A_183 : vector<1x128xf32> to vector<1x1x128xf32>
      %reduce_sum3A_185 = arith.constant dense<0.000000e+00> : vector<1xf32>
      %reduce_sum3A_186 = vector.multi_reduction <add>, %reduce_sum3A_184, %reduce_sum3A_185 [1, 2] : vector<1x1x128xf32> to vector<1xf32>
      %reduce_sum3A_187 = vector.shape_cast %reduce_sum3A_186 : vector<1xf32> to vector<1x1x1xf32>
      %reduce_sum3A_188 = vector.extract %reduce_sum3A_187[0, 0, 0] : f32 from vector<1x1x1xf32>
      %eq3A_189 = vector.broadcast %reduce_min3A_173 : i32 to vector<1x128xi32>
      %eq3A_190 = arith.cmpi eq, %iota3A, %eq3A_189 : vector<1x128xi32>
      %jit3A_191 = arith.constant -1.000000e+00 : f32
      %broadcast_in_dim3A_192 = vector.broadcast %jit3A_191 : f32 to vector<1x128xf32>
      %select_n3A_193 = arith.select %eq3A_190, %broadcast_in_dim3A_192, %reshape3A_158 : vector<1x128xi1>, vector<1x128xf32>
      %reshape3A_194 = vector.shape_cast %select_n3A_193 : vector<1x128xf32> to vector<1x1x128xf32>
      %swap3A_195 = arith.constant 2 : index
      %swap3A_196 = arith.index_cast %squeeze3A_153 : i32 to index
      %swap3A_197 = arith.constant 0 : index
      %swap3A_198 = vector.load %arg4[%swap3A_195, %swap3A_196, %swap3A_197] : memref<8x784x128xf32, #tpu.memory_space<vmem>>, vector<1x1x128xf32>
      tpu.vector_store %arg4[%swap3A_195, %swap3A_196, %swap3A_197], %reshape3A_194 {strides = array<i32>} : memref<8x784x128xf32, #tpu.memory_space<vmem>>, vector<1x1x128xf32>,
      %reshape3A_199 = vector.broadcast %reduce_min3A_173 : i32 to vector<1x1xi32>
      %reshape3A_200 = vector.broadcast %reduce_sum3A_188 : f32 to vector<1x1xf32>
      %reduce_max3A_201 = vector.shape_cast %select_n3A_193 : vector<1x128xf32> to vector<1x1x128xf32>
      %reduce_max3A_202 = arith.constant dense<0xFF800000> : vector<1xf32>
      %reduce_max3A_203 = vector.multi_reduction <maximumf>, %reduce_max3A_201, %reduce_max3A_202 [1, 2] : vector<1x1x128xf32> to vector<1xf32>
      %reduce_max3A_204 = vector.shape_cast %reduce_max3A_203 : vector<1xf32> to vector<1x1x1xf32>
      %reduce_max3A_205 = vector.extract %reduce_max3A_204[0, 0, 0] : f32 from vector<1x1x1xf32>
      %reshape3A_206 = vector.broadcast %reduce_max3A_205 : f32 to vector<1x1xf32>
      %slice3A_207 = vector.extract_strided_slice %reduce_min3A_44 {offsets = [3], sizes = [1], strides = [1]} : vector<8xi32> to vector<1xi32>
      %squeeze3A_208 = vector.extract %slice3A_207[0] : i32 from vector<1xi32>
      %get3A_209 = arith.constant 3 : index
      %get3A_210 = arith.index_cast %squeeze3A_208 : i32 to index
      %get3A_211 = arith.constant 0 : index
      %get3A_212 = vector.load %arg4[%get3A_209, %get3A_210, %get3A_211] : memref<8x784x128xf32, #tpu.memory_space<vmem>>, vector<1x1x128xf32>
      %reshape3A_213 = vector.shape_cast %get3A_212 : vector<1x1x128xf32> to vector<1x128xf32>
      %reduce_max3A_214 = vector.shape_cast %reshape3A_213 : vector<1x128xf32> to vector<1x1x128xf32>
      %reduce_max3A_215 = arith.constant dense<0xFF800000> : vector<1xf32>
      %reduce_max3A_216 = vector.multi_reduction <maximumf>, %reduce_max3A_214, %reduce_max3A_215 [1, 2] : vector<1x1x128xf32> to vector<1xf32>
      %reduce_max3A_217 = vector.shape_cast %reduce_max3A_216 : vector<1xf32> to vector<1x1x1xf32>
      %reduce_max3A_218 = vector.extract %reduce_max3A_217[0, 0, 0] : f32 from vector<1x1x1xf32>
      %eq3A_219 = vector.broadcast %reduce_max3A_218 : f32 to vector<1x128xf32>
      %eq3A_220 = arith.cmpf oeq, %reshape3A_213, %eq3A_219 : vector<1x128xf32>
      %jit3A_221 = arith.constant 128 : i32
      %broadcast_in_dim3A_222 = vector.broadcast %jit3A_221 : i32 to vector<1x128xi32>
      %select_n3A_223 = arith.select %eq3A_220, %iota3A, %broadcast_in_dim3A_222 : vector<1x128xi1>, vector<1x128xi32>
      %reduce_min3A_224 = vector.shape_cast %select_n3A_223 : vector<1x128xi32> to vector<1x1x128xi32>
      %reduce_min3A_225 = arith.constant dense<2147483647> : vector<1xi32>
      %reduce_min3A_226 = vector.multi_reduction <minsi>, %reduce_min3A_224, %reduce_min3A_225 [1, 2] : vector<1x1x128xi32> to vector<1xi32>
      %reduce_min3A_227 = vector.shape_cast %reduce_min3A_226 : vector<1xi32> to vector<1x1x1xi32>
      %reduce_min3A_228 = vector.extract %reduce_min3A_227[0, 0, 0] : i32 from vector<1x1x1xi32>
      %get3A_229 = arith.constant 3 : index
      %get3A_230 = arith.index_cast %squeeze3A_208 : i32 to index
      %get3A_231 = arith.constant 0 : index
      %get3A_232 = vector.load %arg5[%get3A_229, %get3A_230, %get3A_231] : memref<8x784x128xf32, #tpu.memory_space<vmem>>, vector<1x1x128xf32>
      %reshape3A_233 = vector.shape_cast %get3A_232 : vector<1x1x128xf32> to vector<1x128xf32>
      %eq3A_234 = vector.broadcast %reduce_min3A_228 : i32 to vector<1x128xi32>
      %eq3A_235 = arith.cmpi eq, %iota3A, %eq3A_234 : vector<1x128xi32>
      %jit3A_236 = arith.constant 0.000000e+00 : f32
      %broadcast_in_dim3A_237 = vector.broadcast %jit3A_236 : f32 to vector<1x128xf32>
      %select_n3A_238 = arith.select %eq3A_235, %reshape3A_233, %broadcast_in_dim3A_237 : vector<1x128xi1>, vector<1x128xf32>
      %reduce_sum3A_239 = vector.shape_cast %select_n3A_238 : vector<1x128xf32> to vector<1x1x128xf32>
      %reduce_sum3A_240 = arith.constant dense<0.000000e+00> : vector<1xf32>
      %reduce_sum3A_241 = vector.multi_reduction <add>, %reduce_sum3A_239, %reduce_sum3A_240 [1, 2] : vector<1x1x128xf32> to vector<1xf32>
      %reduce_sum3A_242 = vector.shape_cast %reduce_sum3A_241 : vector<1xf32> to vector<1x1x1xf32>
      %reduce_sum3A_243 = vector.extract %reduce_sum3A_242[0, 0, 0] : f32 from vector<1x1x1xf32>
      %eq3A_244 = vector.broadcast %reduce_min3A_228 : i32 to vector<1x128xi32>
      %eq3A_245 = arith.cmpi eq, %iota3A, %eq3A_244 : vector<1x128xi32>
      %jit3A_246 = arith.constant -1.000000e+00 : f32
      %broadcast_in_dim3A_247 = vector.broadcast %jit3A_246 : f32 to vector<1x128xf32>
      %select_n3A_248 = arith.select %eq3A_245, %broadcast_in_dim3A_247, %reshape3A_213 : vector<1x128xi1>, vector<1x128xf32>
      %reshape3A_249 = vector.shape_cast %select_n3A_248 : vector<1x128xf32> to vector<1x1x128xf32>
      %swap3A_250 = arith.constant 3 : index
      %swap3A_251 = arith.index_cast %squeeze3A_208 : i32 to index
      %swap3A_252 = arith.constant 0 : index
      %swap3A_253 = vector.load %arg4[%swap3A_250, %swap3A_251, %swap3A_252] : memref<8x784x128xf32, #tpu.memory_space<vmem>>, vector<1x1x128xf32>
      tpu.vector_store %arg4[%swap3A_250, %swap3A_251, %swap3A_252], %reshape3A_249 {strides = array<i32>} : memref<8x784x128xf32, #tpu.memory_space<vmem>>, vector<1x1x128xf32>,
      %reshape3A_254 = vector.broadcast %reduce_min3A_228 : i32 to vector<1x1xi32>
      %reshape3A_255 = vector.broadcast %reduce_sum3A_243 : f32 to vector<1x1xf32>
      %reduce_max3A_256 = vector.shape_cast %select_n3A_248 : vector<1x128xf32> to vector<1x1x128xf32>
      %reduce_max3A_257 = arith.constant dense<0xFF800000> : vector<1xf32>
      %reduce_max3A_258 = vector.multi_reduction <maximumf>, %reduce_max3A_256, %reduce_max3A_257 [1, 2] : vector<1x1x128xf32> to vector<1xf32>
      %reduce_max3A_259 = vector.shape_cast %reduce_max3A_258 : vector<1xf32> to vector<1x1x1xf32>
      %reduce_max3A_260 = vector.extract %reduce_max3A_259[0, 0, 0] : f32 from vector<1x1x1xf32>
      %reshape3A_261 = vector.broadcast %reduce_max3A_260 : f32 to vector<1x1xf32>
      %slice3A_262 = vector.extract_strided_slice %reduce_min3A_44 {offsets = [4], sizes = [1], strides = [1]} : vector<8xi32> to vector<1xi32>
      %squeeze3A_263 = vector.extract %slice3A_262[0] : i32 from vector<1xi32>
      %get3A_264 = arith.constant 4 : index
      %get3A_265 = arith.index_cast %squeeze3A_263 : i32 to index
      %get3A_266 = arith.constant 0 : index
      %get3A_267 = vector.load %arg4[%get3A_264, %get3A_265, %get3A_266] : memref<8x784x128xf32, #tpu.memory_space<vmem>>, vector<1x1x128xf32>
      %reshape3A_268 = vector.shape_cast %get3A_267 : vector<1x1x128xf32> to vector<1x128xf32>
      %reduce_max3A_269 = vector.shape_cast %reshape3A_268 : vector<1x128xf32> to vector<1x1x128xf32>
      %reduce_max3A_270 = arith.constant dense<0xFF800000> : vector<1xf32>
      %reduce_max3A_271 = vector.multi_reduction <maximumf>, %reduce_max3A_269, %reduce_max3A_270 [1, 2] : vector<1x1x128xf32> to vector<1xf32>
      %reduce_max3A_272 = vector.shape_cast %reduce_max3A_271 : vector<1xf32> to vector<1x1x1xf32>
      %reduce_max3A_273 = vector.extract %reduce_max3A_272[0, 0, 0] : f32 from vector<1x1x1xf32>
      %eq3A_274 = vector.broadcast %reduce_max3A_273 : f32 to vector<1x128xf32>
      %eq3A_275 = arith.cmpf oeq, %reshape3A_268, %eq3A_274 : vector<1x128xf32>
      %jit3A_276 = arith.constant 128 : i32
      %broadcast_in_dim3A_277 = vector.broadcast %jit3A_276 : i32 to vector<1x128xi32>
      %select_n3A_278 = arith.select %eq3A_275, %iota3A, %broadcast_in_dim3A_277 : vector<1x128xi1>, vector<1x128xi32>
      %reduce_min3A_279 = vector.shape_cast %select_n3A_278 : vector<1x128xi32> to vector<1x1x128xi32>
      %reduce_min3A_280 = arith.constant dense<2147483647> : vector<1xi32>
      %reduce_min3A_281 = vector.multi_reduction <minsi>, %reduce_min3A_279, %reduce_min3A_280 [1, 2] : vector<1x1x128xi32> to vector<1xi32>
      %reduce_min3A_282 = vector.shape_cast %reduce_min3A_281 : vector<1xi32> to vector<1x1x1xi32>
      %reduce_min3A_283 = vector.extract %reduce_min3A_282[0, 0, 0] : i32 from vector<1x1x1xi32>
      %get3A_284 = arith.constant 4 : index
      %get3A_285 = arith.index_cast %squeeze3A_263 : i32 to index
      %get3A_286 = arith.constant 0 : index
      %get3A_287 = vector.load %arg5[%get3A_284, %get3A_285, %get3A_286] : memref<8x784x128xf32, #tpu.memory_space<vmem>>, vector<1x1x128xf32>
      %reshape3A_288 = vector.shape_cast %get3A_287 : vector<1x1x128xf32> to vector<1x128xf32>
      %eq3A_289 = vector.broadcast %reduce_min3A_283 : i32 to vector<1x128xi32>
      %eq3A_290 = arith.cmpi eq, %iota3A, %eq3A_289 : vector<1x128xi32>
      %jit3A_291 = arith.constant 0.000000e+00 : f32
      %broadcast_in_dim3A_292 = vector.broadcast %jit3A_291 : f32 to vector<1x128xf32>
      %select_n3A_293 = arith.select %eq3A_290, %reshape3A_288, %broadcast_in_dim3A_292 : vector<1x128xi1>, vector<1x128xf32>
      %reduce_sum3A_294 = vector.shape_cast %select_n3A_293 : vector<1x128xf32> to vector<1x1x128xf32>
      %reduce_sum3A_295 = arith.constant dense<0.000000e+00> : vector<1xf32>
      %reduce_sum3A_296 = vector.multi_reduction <add>, %reduce_sum3A_294, %reduce_sum3A_295 [1, 2] : vector<1x1x128xf32> to vector<1xf32>
      %reduce_sum3A_297 = vector.shape_cast %reduce_sum3A_296 : vector<1xf32> to vector<1x1x1xf32>
      %reduce_sum3A_298 = vector.extract %reduce_sum3A_297[0, 0, 0] : f32 from vector<1x1x1xf32>
      %eq3A_299 = vector.broadcast %reduce_min3A_283 : i32 to vector<1x128xi32>
      %eq3A_300 = arith.cmpi eq, %iota3A, %eq3A_299 : vector<1x128xi32>
      %jit3A_301 = arith.constant -1.000000e+00 : f32
      %broadcast_in_dim3A_302 = vector.broadcast %jit3A_301 : f32 to vector<1x128xf32>
      %select_n3A_303 = arith.select %eq3A_300, %broadcast_in_dim3A_302, %reshape3A_268 : vector<1x128xi1>, vector<1x128xf32>
      %reshape3A_304 = vector.shape_cast %select_n3A_303 : vector<1x128xf32> to vector<1x1x128xf32>
      %swap3A_305 = arith.constant 4 : index
      %swap3A_306 = arith.index_cast %squeeze3A_263 : i32 to index
      %swap3A_307 = arith.constant 0 : index
      %swap3A_308 = vector.load %arg4[%swap3A_305, %swap3A_306, %swap3A_307] : memref<8x784x128xf32, #tpu.memory_space<vmem>>, vector<1x1x128xf32>
      tpu.vector_store %arg4[%swap3A_305, %swap3A_306, %swap3A_307], %reshape3A_304 {strides = array<i32>} : memref<8x784x128xf32, #tpu.memory_space<vmem>>, vector<1x1x128xf32>,
      %reshape3A_309 = vector.broadcast %reduce_min3A_283 : i32 to vector<1x1xi32>
      %reshape3A_310 = vector.broadcast %reduce_sum3A_298 : f32 to vector<1x1xf32>
      %reduce_max3A_311 = vector.shape_cast %select_n3A_303 : vector<1x128xf32> to vector<1x1x128xf32>
      %reduce_max3A_312 = arith.constant dense<0xFF800000> : vector<1xf32>
      %reduce_max3A_313 = vector.multi_reduction <maximumf>, %reduce_max3A_311, %reduce_max3A_312 [1, 2] : vector<1x1x128xf32> to vector<1xf32>
      %reduce_max3A_314 = vector.shape_cast %reduce_max3A_313 : vector<1xf32> to vector<1x1x1xf32>
      %reduce_max3A_315 = vector.extract %reduce_max3A_314[0, 0, 0] : f32 from vector<1x1x1xf32>
      %reshape3A_316 = vector.broadcast %reduce_max3A_315 : f32 to vector<1x1xf32>
      %slice3A_317 = vector.extract_strided_slice %reduce_min3A_44 {offsets = [5], sizes = [1], strides = [1]} : vector<8xi32> to vector<1xi32>
      %squeeze3A_318 = vector.extract %slice3A_317[0] : i32 from vector<1xi32>
      %get3A_319 = arith.constant 5 : index
      %get3A_320 = arith.index_cast %squeeze3A_318 : i32 to index
      %get3A_321 = arith.constant 0 : index
      %get3A_322 = vector.load %arg4[%get3A_319, %get3A_320, %get3A_321] : memref<8x784x128xf32, #tpu.memory_space<vmem>>, vector<1x1x128xf32>
      %reshape3A_323 = vector.shape_cast %get3A_322 : vector<1x1x128xf32> to vector<1x128xf32>
      %reduce_max3A_324 = vector.shape_cast %reshape3A_323 : vector<1x128xf32> to vector<1x1x128xf32>
      %reduce_max3A_325 = arith.constant dense<0xFF800000> : vector<1xf32>
      %reduce_max3A_326 = vector.multi_reduction <maximumf>, %reduce_max3A_324, %reduce_max3A_325 [1, 2] : vector<1x1x128xf32> to vector<1xf32>
      %reduce_max3A_327 = vector.shape_cast %reduce_max3A_326 : vector<1xf32> to vector<1x1x1xf32>
      %reduce_max3A_328 = vector.extract %reduce_max3A_327[0, 0, 0] : f32 from vector<1x1x1xf32>
      %eq3A_329 = vector.broadcast %reduce_max3A_328 : f32 to vector<1x128xf32>
      %eq3A_330 = arith.cmpf oeq, %reshape3A_323, %eq3A_329 : vector<1x128xf32>
      %jit3A_331 = arith.constant 128 : i32
      %broadcast_in_dim3A_332 = vector.broadcast %jit3A_331 : i32 to vector<1x128xi32>
      %select_n3A_333 = arith.select %eq3A_330, %iota3A, %broadcast_in_dim3A_332 : vector<1x128xi1>, vector<1x128xi32>
      %reduce_min3A_334 = vector.shape_cast %select_n3A_333 : vector<1x128xi32> to vector<1x1x128xi32>
      %reduce_min3A_335 = arith.constant dense<2147483647> : vector<1xi32>
      %reduce_min3A_336 = vector.multi_reduction <minsi>, %reduce_min3A_334, %reduce_min3A_335 [1, 2] : vector<1x1x128xi32> to vector<1xi32>
      %reduce_min3A_337 = vector.shape_cast %reduce_min3A_336 : vector<1xi32> to vector<1x1x1xi32>
      %reduce_min3A_338 = vector.extract %reduce_min3A_337[0, 0, 0] : i32 from vector<1x1x1xi32>
      %get3A_339 = arith.constant 5 : index
      %get3A_340 = arith.index_cast %squeeze3A_318 : i32 to index
      %get3A_341 = arith.constant 0 : index
      %get3A_342 = vector.load %arg5[%get3A_339, %get3A_340, %get3A_341] : memref<8x784x128xf32, #tpu.memory_space<vmem>>, vector<1x1x128xf32>
      %reshape3A_343 = vector.shape_cast %get3A_342 : vector<1x1x128xf32> to vector<1x128xf32>
      %eq3A_344 = vector.broadcast %reduce_min3A_338 : i32 to vector<1x128xi32>
      %eq3A_345 = arith.cmpi eq, %iota3A, %eq3A_344 : vector<1x128xi32>
      %jit3A_346 = arith.constant 0.000000e+00 : f32
      %broadcast_in_dim3A_347 = vector.broadcast %jit3A_346 : f32 to vector<1x128xf32>
      %select_n3A_348 = arith.select %eq3A_345, %reshape3A_343, %broadcast_in_dim3A_347 : vector<1x128xi1>, vector<1x128xf32>
      %reduce_sum3A_349 = vector.shape_cast %select_n3A_348 : vector<1x128xf32> to vector<1x1x128xf32>
      %reduce_sum3A_350 = arith.constant dense<0.000000e+00> : vector<1xf32>
      %reduce_sum3A_351 = vector.multi_reduction <add>, %reduce_sum3A_349, %reduce_sum3A_350 [1, 2] : vector<1x1x128xf32> to vector<1xf32>
      %reduce_sum3A_352 = vector.shape_cast %reduce_sum3A_351 : vector<1xf32> to vector<1x1x1xf32>
      %reduce_sum3A_353 = vector.extract %reduce_sum3A_352[0, 0, 0] : f32 from vector<1x1x1xf32>
      %eq3A_354 = vector.broadcast %reduce_min3A_338 : i32 to vector<1x128xi32>
      %eq3A_355 = arith.cmpi eq, %iota3A, %eq3A_354 : vector<1x128xi32>
      %jit3A_356 = arith.constant -1.000000e+00 : f32
      %broadcast_in_dim3A_357 = vector.broadcast %jit3A_356 : f32 to vector<1x128xf32>
      %select_n3A_358 = arith.select %eq3A_355, %broadcast_in_dim3A_357, %reshape3A_323 : vector<1x128xi1>, vector<1x128xf32>
      %reshape3A_359 = vector.shape_cast %select_n3A_358 : vector<1x128xf32> to vector<1x1x128xf32>
      %swap3A_360 = arith.constant 5 : index
      %swap3A_361 = arith.index_cast %squeeze3A_318 : i32 to index
      %swap3A_362 = arith.constant 0 : index
      %swap3A_363 = vector.load %arg4[%swap3A_360, %swap3A_361, %swap3A_362] : memref<8x784x128xf32, #tpu.memory_space<vmem>>, vector<1x1x128xf32>
      tpu.vector_store %arg4[%swap3A_360, %swap3A_361, %swap3A_362], %reshape3A_359 {strides = array<i32>} : memref<8x784x128xf32, #tpu.memory_space<vmem>>, vector<1x1x128xf32>,
      %reshape3A_364 = vector.broadcast %reduce_min3A_338 : i32 to vector<1x1xi32>
      %reshape3A_365 = vector.broadcast %reduce_sum3A_353 : f32 to vector<1x1xf32>
      %reduce_max3A_366 = vector.shape_cast %select_n3A_358 : vector<1x128xf32> to vector<1x1x128xf32>
      %reduce_max3A_367 = arith.constant dense<0xFF800000> : vector<1xf32>
      %reduce_max3A_368 = vector.multi_reduction <maximumf>, %reduce_max3A_366, %reduce_max3A_367 [1, 2] : vector<1x1x128xf32> to vector<1xf32>
      %reduce_max3A_369 = vector.shape_cast %reduce_max3A_368 : vector<1xf32> to vector<1x1x1xf32>
      %reduce_max3A_370 = vector.extract %reduce_max3A_369[0, 0, 0] : f32 from vector<1x1x1xf32>
      %reshape3A_371 = vector.broadcast %reduce_max3A_370 : f32 to vector<1x1xf32>
      %slice3A_372 = vector.extract_strided_slice %reduce_min3A_44 {offsets = [6], sizes = [1], strides = [1]} : vector<8xi32> to vector<1xi32>
      %squeeze3A_373 = vector.extract %slice3A_372[0] : i32 from vector<1xi32>
      %get3A_374 = arith.constant 6 : index
      %get3A_375 = arith.index_cast %squeeze3A_373 : i32 to index
      %get3A_376 = arith.constant 0 : index
      %get3A_377 = vector.load %arg4[%get3A_374, %get3A_375, %get3A_376] : memref<8x784x128xf32, #tpu.memory_space<vmem>>, vector<1x1x128xf32>
      %reshape3A_378 = vector.shape_cast %get3A_377 : vector<1x1x128xf32> to vector<1x128xf32>
      %reduce_max3A_379 = vector.shape_cast %reshape3A_378 : vector<1x128xf32> to vector<1x1x128xf32>
      %reduce_max3A_380 = arith.constant dense<0xFF800000> : vector<1xf32>
      %reduce_max3A_381 = vector.multi_reduction <maximumf>, %reduce_max3A_379, %reduce_max3A_380 [1, 2] : vector<1x1x128xf32> to vector<1xf32>
      %reduce_max3A_382 = vector.shape_cast %reduce_max3A_381 : vector<1xf32> to vector<1x1x1xf32>
      %reduce_max3A_383 = vector.extract %reduce_max3A_382[0, 0, 0] : f32 from vector<1x1x1xf32>
      %eq3A_384 = vector.broadcast %reduce_max3A_383 : f32 to vector<1x128xf32>
      %eq3A_385 = arith.cmpf oeq, %reshape3A_378, %eq3A_384 : vector<1x128xf32>
      %jit3A_386 = arith.constant 128 : i32
      %broadcast_in_dim3A_387 = vector.broadcast %jit3A_386 : i32 to vector<1x128xi32>
      %select_n3A_388 = arith.select %eq3A_385, %iota3A, %broadcast_in_dim3A_387 : vector<1x128xi1>, vector<1x128xi32>
      %reduce_min3A_389 = vector.shape_cast %select_n3A_388 : vector<1x128xi32> to vector<1x1x128xi32>
      %reduce_min3A_390 = arith.constant dense<2147483647> : vector<1xi32>
      %reduce_min3A_391 = vector.multi_reduction <minsi>, %reduce_min3A_389, %reduce_min3A_390 [1, 2] : vector<1x1x128xi32> to vector<1xi32>
      %reduce_min3A_392 = vector.shape_cast %reduce_min3A_391 : vector<1xi32> to vector<1x1x1xi32>
      %reduce_min3A_393 = vector.extract %reduce_min3A_392[0, 0, 0] : i32 from vector<1x1x1xi32>
      %get3A_394 = arith.constant 6 : index
      %get3A_395 = arith.index_cast %squeeze3A_373 : i32 to index
      %get3A_396 = arith.constant 0 : index
      %get3A_397 = vector.load %arg5[%get3A_394, %get3A_395, %get3A_396] : memref<8x784x128xf32, #tpu.memory_space<vmem>>, vector<1x1x128xf32>
      %reshape3A_398 = vector.shape_cast %get3A_397 : vector<1x1x128xf32> to vector<1x128xf32>
      %eq3A_399 = vector.broadcast %reduce_min3A_393 : i32 to vector<1x128xi32>
      %eq3A_400 = arith.cmpi eq, %iota3A, %eq3A_399 : vector<1x128xi32>
      %jit3A_401 = arith.constant 0.000000e+00 : f32
      %broadcast_in_dim3A_402 = vector.broadcast %jit3A_401 : f32 to vector<1x128xf32>
      %select_n3A_403 = arith.select %eq3A_400, %reshape3A_398, %broadcast_in_dim3A_402 : vector<1x128xi1>, vector<1x128xf32>
      %reduce_sum3A_404 = vector.shape_cast %select_n3A_403 : vector<1x128xf32> to vector<1x1x128xf32>
      %reduce_sum3A_405 = arith.constant dense<0.000000e+00> : vector<1xf32>
      %reduce_sum3A_406 = vector.multi_reduction <add>, %reduce_sum3A_404, %reduce_sum3A_405 [1, 2] : vector<1x1x128xf32> to vector<1xf32>
      %reduce_sum3A_407 = vector.shape_cast %reduce_sum3A_406 : vector<1xf32> to vector<1x1x1xf32>
      %reduce_sum3A_408 = vector.extract %reduce_sum3A_407[0, 0, 0] : f32 from vector<1x1x1xf32>
      %eq3A_409 = vector.broadcast %reduce_min3A_393 : i32 to vector<1x128xi32>
      %eq3A_410 = arith.cmpi eq, %iota3A, %eq3A_409 : vector<1x128xi32>
      %jit3A_411 = arith.constant -1.000000e+00 : f32
      %broadcast_in_dim3A_412 = vector.broadcast %jit3A_411 : f32 to vector<1x128xf32>
      %select_n3A_413 = arith.select %eq3A_410, %broadcast_in_dim3A_412, %reshape3A_378 : vector<1x128xi1>, vector<1x128xf32>
      %reshape3A_414 = vector.shape_cast %select_n3A_413 : vector<1x128xf32> to vector<1x1x128xf32>
      %swap3A_415 = arith.constant 6 : index
      %swap3A_416 = arith.index_cast %squeeze3A_373 : i32 to index
      %swap3A_417 = arith.constant 0 : index
      %swap3A_418 = vector.load %arg4[%swap3A_415, %swap3A_416, %swap3A_417] : memref<8x784x128xf32, #tpu.memory_space<vmem>>, vector<1x1x128xf32>
      tpu.vector_store %arg4[%swap3A_415, %swap3A_416, %swap3A_417], %reshape3A_414 {strides = array<i32>} : memref<8x784x128xf32, #tpu.memory_space<vmem>>, vector<1x1x128xf32>,
      %reshape3A_419 = vector.broadcast %reduce_min3A_393 : i32 to vector<1x1xi32>
      %reshape3A_420 = vector.broadcast %reduce_sum3A_408 : f32 to vector<1x1xf32>
      %reduce_max3A_421 = vector.shape_cast %select_n3A_413 : vector<1x128xf32> to vector<1x1x128xf32>
      %reduce_max3A_422 = arith.constant dense<0xFF800000> : vector<1xf32>
      %reduce_max3A_423 = vector.multi_reduction <maximumf>, %reduce_max3A_421, %reduce_max3A_422 [1, 2] : vector<1x1x128xf32> to vector<1xf32>
      %reduce_max3A_424 = vector.shape_cast %reduce_max3A_423 : vector<1xf32> to vector<1x1x1xf32>
      %reduce_max3A_425 = vector.extract %reduce_max3A_424[0, 0, 0] : f32 from vector<1x1x1xf32>
      %reshape3A_426 = vector.broadcast %reduce_max3A_425 : f32 to vector<1x1xf32>
      %slice3A_427 = vector.extract_strided_slice %reduce_min3A_44 {offsets = [7], sizes = [1], strides = [1]} : vector<8xi32> to vector<1xi32>
      %squeeze3A_428 = vector.extract %slice3A_427[0] : i32 from vector<1xi32>
      %get3A_429 = arith.constant 7 : index
      %get3A_430 = arith.index_cast %squeeze3A_428 : i32 to index
      %get3A_431 = arith.constant 0 : index
      %get3A_432 = vector.load %arg4[%get3A_429, %get3A_430, %get3A_431] : memref<8x784x128xf32, #tpu.memory_space<vmem>>, vector<1x1x128xf32>
      %reshape3A_433 = vector.shape_cast %get3A_432 : vector<1x1x128xf32> to vector<1x128xf32>
      %reduce_max3A_434 = vector.shape_cast %reshape3A_433 : vector<1x128xf32> to vector<1x1x128xf32>
      %reduce_max3A_435 = arith.constant dense<0xFF800000> : vector<1xf32>
      %reduce_max3A_436 = vector.multi_reduction <maximumf>, %reduce_max3A_434, %reduce_max3A_435 [1, 2] : vector<1x1x128xf32> to vector<1xf32>
      %reduce_max3A_437 = vector.shape_cast %reduce_max3A_436 : vector<1xf32> to vector<1x1x1xf32>
      %reduce_max3A_438 = vector.extract %reduce_max3A_437[0, 0, 0] : f32 from vector<1x1x1xf32>
      %eq3A_439 = vector.broadcast %reduce_max3A_438 : f32 to vector<1x128xf32>
      %eq3A_440 = arith.cmpf oeq, %reshape3A_433, %eq3A_439 : vector<1x128xf32>
      %jit3A_441 = arith.constant 128 : i32
      %broadcast_in_dim3A_442 = vector.broadcast %jit3A_441 : i32 to vector<1x128xi32>
      %select_n3A_443 = arith.select %eq3A_440, %iota3A, %broadcast_in_dim3A_442 : vector<1x128xi1>, vector<1x128xi32>
      %reduce_min3A_444 = vector.shape_cast %select_n3A_443 : vector<1x128xi32> to vector<1x1x128xi32>
      %reduce_min3A_445 = arith.constant dense<2147483647> : vector<1xi32>
      %reduce_min3A_446 = vector.multi_reduction <minsi>, %reduce_min3A_444, %reduce_min3A_445 [1, 2] : vector<1x1x128xi32> to vector<1xi32>
      %reduce_min3A_447 = vector.shape_cast %reduce_min3A_446 : vector<1xi32> to vector<1x1x1xi32>
      %reduce_min3A_448 = vector.extract %reduce_min3A_447[0, 0, 0] : i32 from vector<1x1x1xi32>
      %get3A_449 = arith.constant 7 : index
      %get3A_450 = arith.index_cast %squeeze3A_428 : i32 to index
      %get3A_451 = arith.constant 0 : index
      %get3A_452 = vector.load %arg5[%get3A_449, %get3A_450, %get3A_451] : memref<8x784x128xf32, #tpu.memory_space<vmem>>, vector<1x1x128xf32>
      %reshape3A_453 = vector.shape_cast %get3A_452 : vector<1x1x128xf32> to vector<1x128xf32>
      %eq3A_454 = vector.broadcast %reduce_min3A_448 : i32 to vector<1x128xi32>
      %eq3A_455 = arith.cmpi eq, %iota3A, %eq3A_454 : vector<1x128xi32>
      %jit3A_456 = arith.constant 0.000000e+00 : f32
      %broadcast_in_dim3A_457 = vector.broadcast %jit3A_456 : f32 to vector<1x128xf32>
      %select_n3A_458 = arith.select %eq3A_455, %reshape3A_453, %broadcast_in_dim3A_457 : vector<1x128xi1>, vector<1x128xf32>
      %reduce_sum3A_459 = vector.shape_cast %select_n3A_458 : vector<1x128xf32> to vector<1x1x128xf32>
      %reduce_sum3A_460 = arith.constant dense<0.000000e+00> : vector<1xf32>
      %reduce_sum3A_461 = vector.multi_reduction <add>, %reduce_sum3A_459, %reduce_sum3A_460 [1, 2] : vector<1x1x128xf32> to vector<1xf32>
      %reduce_sum3A_462 = vector.shape_cast %reduce_sum3A_461 : vector<1xf32> to vector<1x1x1xf32>
      %reduce_sum3A_463 = vector.extract %reduce_sum3A_462[0, 0, 0] : f32 from vector<1x1x1xf32>
      %eq3A_464 = vector.broadcast %reduce_min3A_448 : i32 to vector<1x128xi32>
      %eq3A_465 = arith.cmpi eq, %iota3A, %eq3A_464 : vector<1x128xi32>
      %jit3A_466 = arith.constant -1.000000e+00 : f32
      %broadcast_in_dim3A_467 = vector.broadcast %jit3A_466 : f32 to vector<1x128xf32>
      %select_n3A_468 = arith.select %eq3A_465, %broadcast_in_dim3A_467, %reshape3A_433 : vector<1x128xi1>, vector<1x128xf32>
      %reshape3A_469 = vector.shape_cast %select_n3A_468 : vector<1x128xf32> to vector<1x1x128xf32>
      %swap3A_470 = arith.constant 7 : index
      %swap3A_471 = arith.index_cast %squeeze3A_428 : i32 to index
      %swap3A_472 = arith.constant 0 : index
      %swap3A_473 = vector.load %arg4[%swap3A_470, %swap3A_471, %swap3A_472] : memref<8x784x128xf32, #tpu.memory_space<vmem>>, vector<1x1x128xf32>
      tpu.vector_store %arg4[%swap3A_470, %swap3A_471, %swap3A_472], %reshape3A_469 {strides = array<i32>} : memref<8x784x128xf32, #tpu.memory_space<vmem>>, vector<1x1x128xf32>,
      %reshape3A_474 = vector.broadcast %reduce_min3A_448 : i32 to vector<1x1xi32>
      %reshape3A_475 = vector.broadcast %reduce_sum3A_463 : f32 to vector<1x1xf32>
      %reduce_max3A_476 = vector.shape_cast %select_n3A_468 : vector<1x128xf32> to vector<1x1x128xf32>
      %reduce_max3A_477 = arith.constant dense<0xFF800000> : vector<1xf32>
      %reduce_max3A_478 = vector.multi_reduction <maximumf>, %reduce_max3A_476, %reduce_max3A_477 [1, 2] : vector<1x1x128xf32> to vector<1xf32>
      %reduce_max3A_479 = vector.shape_cast %reduce_max3A_478 : vector<1xf32> to vector<1x1x1xf32>
      %reduce_max3A_480 = vector.extract %reduce_max3A_479[0, 0, 0] : f32 from vector<1x1x1xf32>
      %reshape3A_481 = vector.broadcast %reduce_max3A_480 : f32 to vector<1x1xf32>
      %concatenate3A_482 = tpu.concatenate %reshape3A_89, %reshape3A_144, %reshape3A_199, %reshape3A_254, %reshape3A_309, %reshape3A_364, %reshape3A_419, %reshape3A_474 in 0 : vector<1x1xi32>, vector<1x1xi32>, vector<1x1xi32>, vector<1x1xi32>, vector<1x1xi32>, vector<1x1xi32>, vector<1x1xi32>, vector<1x1xi32> -> vector<8x1xi32>
      %concatenate3A_483 = tpu.concatenate %reshape3A_90, %reshape3A_145, %reshape3A_200, %reshape3A_255, %reshape3A_310, %reshape3A_365, %reshape3A_420, %reshape3A_475 in 0 : vector<1x1xf32>, vector<1x1xf32>, vector<1x1xf32>, vector<1x1xf32>, vector<1x1xf32>, vector<1x1xf32>, vector<1x1xf32>, vector<1x1xf32> -> vector<8x1xf32>
      %concatenate3A_484 = tpu.concatenate %reshape3A_96, %reshape3A_151, %reshape3A_206, %reshape3A_261, %reshape3A_316, %reshape3A_371, %reshape3A_426, %reshape3A_481 in 0 : vector<1x1xf32>, vector<1x1xf32>, vector<1x1xf32>, vector<1x1xf32>, vector<1x1xf32>, vector<1x1xf32>, vector<1x1xf32>, vector<1x1xf32> -> vector<8x1xf32>
      %broadcast_in_dim3A_485 = vector.shape_cast %reduce_min3A_44 : vector<8xi32> to vector<8x1xi32>
      %eq3A_486 = vector.broadcast %broadcast_in_dim3A_485 : vector<8x1xi32> to vector<8x784xi32>
      %eq3A_487 = arith.cmpi eq, %iota3A_17, %eq3A_486 : vector<8x784xi32>
      %broadcast_in_dim3A_488 = vector.shape_cast %concatenate3A_484 : vector<8x1xf32> to vector<8x1xf32>
      %broadcast_in_dim3A_489 = vector.broadcast %broadcast_in_dim3A_488 : vector<8x1xf32> to vector<8x784xf32>
      %select_n3A_490 = arith.select %eq3A_487, %broadcast_in_dim3A_489, %get3A_38 : vector<8x784xi1>, vector<8x784xf32>
      %swap3A_491 = arith.constant 0 : index
      %swap3A_492 = arith.constant 0 : index
      %swap3A_493 = vector.load %arg6[%swap3A_491, %swap3A_492] : memref<8x784xf32, #tpu.memory_space<vmem>>, vector<8x784xf32>
      tpu.vector_store %arg6[%swap3A_491, %swap3A_492], %select_n3A_490 {strides = array<i32>} : memref<8x784xf32, #tpu.memory_space<vmem>>, vector<8x784xf32>,
      %mul3A = arith.constant 128 : i32
      %mul3A_494 = vector.broadcast %mul3A : i32 to vector<8x1xi32>
      %mul3A_495 = arith.muli %broadcast_in_dim3A_485, %mul3A_494 : vector<8x1xi32>
      %add3A = arith.addi %mul3A_495, %concatenate3A_482 : vector<8x1xi32>
      %eq3A_496 = vector.broadcast %scan3A_33 : i32 to vector<8x128xi32>
      %eq3A_497 = arith.cmpi eq, %iota3A_16, %eq3A_496 : vector<8x128xi32>
      %broadcast_in_dim3A_498 = vector.shape_cast %add3A : vector<8x1xi32> to vector<8x1xi32>
      %broadcast_in_dim3A_499 = vector.broadcast %broadcast_in_dim3A_498 : vector<8x1xi32> to vector<8x128xi32>
      %select_n3A_500 = arith.select %eq3A_497, %broadcast_in_dim3A_499, %scan3A_34 : vector<8x128xi1>, vector<8x128xi32>
      %eq3A_501 = vector.broadcast %scan3A_33 : i32 to vector<8x128xi32>
      %eq3A_502 = arith.cmpi eq, %iota3A_16, %eq3A_501 : vector<8x128xi32>
      %broadcast_in_dim3A_503 = vector.shape_cast %concatenate3A_483 : vector<8x1xf32> to vector<8x1xf32>
      %broadcast_in_dim3A_504 = vector.broadcast %broadcast_in_dim3A_503 : vector<8x1xf32> to vector<8x128xf32>
      %select_n3A_505 = arith.select %eq3A_502, %broadcast_in_dim3A_504, %scan3A_35 : vector<8x128xi1>, vector<8x128xf32>
      scf.yield %select_n3A_500, %select_n3A_505 : vector<8x128xi32>, vector<8x128xf32>
    }
    %scan3A_26 = arith.constant 128 : i32
    %swap3A_27 = arith.constant 0 : index
    %swap3A_28 = arith.constant 0 : index
    %swap3A_29 = vector.load %arg2[%swap3A_27, %swap3A_28] : memref<8x128xi32, #tpu.memory_space<vmem>>, vector<8x128xi32>
    tpu.vector_store %arg2[%swap3A_27, %swap3A_28], %scan3A_25#0 {strides = array<i32>} : memref<8x128xi32, #tpu.memory_space<vmem>>, vector<8x128xi32>,
    %swap3A_30 = arith.constant 0 : index
    %swap3A_31 = arith.constant 0 : index
    %swap3A_32 = vector.load %arg3[%swap3A_30, %swap3A_31] : memref<8x128xf32, #tpu.memory_space<vmem>>, vector<8x128xf32>
    tpu.vector_store %arg3[%swap3A_30, %swap3A_31], %scan3A_25#1 {strides = array<i32>} : memref<8x128xf32, #tpu.memory_space<vmem>>, vector<8x128xf32>,
    return
  }
  func.func @transform_0(%arg0: i32) -> (i32, i32) {
    %c0_i32 = arith.constant 0 : i32
    %c0_i32_0 = arith.constant 0 : i32
    return %arg0, %c0_i32 : i32, i32
  }
  func.func @transform_1(%arg0: i32) -> (i32, i32) {
    %c0_i32 = arith.constant 0 : i32
    %c0_i32_0 = arith.constant 0 : i32
    return %arg0, %c0_i32 : i32, i32
  }
  func.func @transform_2(%arg0: i32) -> (i32, i32) {
    %c0_i32 = arith.constant 0 : i32
    %c0_i32_0 = arith.constant 0 : i32
    return %arg0, %c0_i32 : i32, i32
  }
}

module attributes {stable_mosaic.version = 14 : i64} {
  func.func @_mlp_body(%arg0: i32, %arg1: memref<1x1x128xf32, #tpu.memory_space<vmem>>, %arg2: memref<1x128x64xf32, #tpu.memory_space<vmem>>, %arg3: memref<256x3xf32, #tpu.memory_space<vmem>>, %arg4: memref<256x1xf32, #tpu.memory_space<vmem>>, %arg5: memref<64x256xf32, #tpu.memory_space<vmem>>, %arg6: memref<64x1xf32, #tpu.memory_space<vmem>>, %arg7: memref<1x128x64xf32, #tpu.memory_space<vmem>>) attributes {dimension_semantics = [#tpu.dimension_semantics<arbitrary>], iteration_bounds = array<i64: 1024>, scalar_prefetch = 0 : i64, scratch_operands = 0 : i64, tpu.core_type = #tpu.core_type<tc>, window_params = [{transform_indices = @transform_0, window_bounds = array<i64: 1, 1, 128>}, {transform_indices = @transform_1, window_bounds = array<i64: 1, 128, 64>}, {pipeline_mode = #tpu.pipeline_mode<synchronous>, transform_indices = @transform_2, window_bounds = array<i64: 256, 3>}, {pipeline_mode = #tpu.pipeline_mode<synchronous>, transform_indices = @transform_3, window_bounds = array<i64: 256, 1>}, {pipeline_mode = #tpu.pipeline_mode<synchronous>, transform_indices = @transform_4, window_bounds = array<i64: 64, 256>}, {pipeline_mode = #tpu.pipeline_mode<synchronous>, transform_indices = @transform_5, window_bounds = array<i64: 64, 1>}, {transform_indices = @transform_6, window_bounds = array<i64: 1, 128, 64>}]} {
    %get3A = arith.constant 0 : index
    %get3A_0 = arith.constant 0 : index
    %get3A_1 = arith.constant 0 : index
    %get3A_2 = vector.load %arg1[%get3A, %get3A_0, %get3A_1] : memref<1x1x128xf32, #tpu.memory_space<vmem>>, vector<1x1x128xf32>
    %reshape3A = vector.shape_cast %get3A_2 : vector<1x1x128xf32> to vector<1x128xf32>
    %iota3A = tpu.iota {dimensions = array<i32: 1>} : vector<1x128xi32>
    %convert_element_type3A = arith.sitofp %iota3A : vector<1x128xi32> to vector<1x128xf32>
    %mul3A = arith.constant 0.00787401571 : f32
    %mul3A_3 = vector.broadcast %mul3A : f32 to vector<1x128xf32>
    %mul3A_4 = arith.mulf %convert_element_type3A, %mul3A_3 : vector<1x128xf32>
    %eq3A = arith.constant 0.000000e+00 : f32
    %eq3A_5 = vector.broadcast %eq3A : f32 to vector<1x128xf32>
    %eq3A_6 = arith.cmpf oeq, %reshape3A, %eq3A_5 : vector<1x128xf32>
    %convert_element_type3A_7 = arith.extui %eq3A_6 : vector<1x128xi1> to vector<1x128xi32>
    %convert_element_type3A_8 = arith.sitofp %convert_element_type3A_7 : vector<1x128xi32> to vector<1x128xf32>
    %add3A = arith.addf %reshape3A, %mul3A_4 : vector<1x128xf32>
    %add3A_9 = arith.addf %add3A, %convert_element_type3A_8 : vector<1x128xf32>
    %mul3A_10 = arith.constant 0.333333343 : f32
    %mul3A_11 = vector.broadcast %mul3A_10 : f32 to vector<1x128xf32>
    %mul3A_12 = arith.mulf %add3A_9, %mul3A_11 : vector<1x128xf32>
    %sub3A = arith.subf %reshape3A, %mul3A_12 : vector<1x128xf32>
    %sub3A_13 = arith.subf %mul3A_4, %mul3A_12 : vector<1x128xf32>
    %sub3A_14 = arith.subf %convert_element_type3A_8, %mul3A_12 : vector<1x128xf32>
    %mul3A_15 = arith.mulf %sub3A, %sub3A : vector<1x128xf32>
    %mul3A_16 = arith.mulf %sub3A_13, %sub3A_13 : vector<1x128xf32>
    %add3A_17 = arith.addf %mul3A_15, %mul3A_16 : vector<1x128xf32>
    %mul3A_18 = arith.mulf %sub3A_14, %sub3A_14 : vector<1x128xf32>
    %add3A_19 = arith.addf %add3A_17, %mul3A_18 : vector<1x128xf32>
    %mul3A_20 = arith.constant 0.333333343 : f32
    %mul3A_21 = vector.broadcast %mul3A_20 : f32 to vector<1x128xf32>
    %mul3A_22 = arith.mulf %add3A_19, %mul3A_21 : vector<1x128xf32>
    %add3A_23 = arith.constant 9.99999974E-6 : f32
    %add3A_24 = vector.broadcast %add3A_23 : f32 to vector<1x128xf32>
    %add3A_25 = arith.addf %mul3A_22, %add3A_24 : vector<1x128xf32>
    %rsqrt3A = math.rsqrt %add3A_25 : vector<1x128xf32>
    %mul3A_26 = arith.mulf %sub3A, %rsqrt3A : vector<1x128xf32>
    %mul3A_27 = arith.mulf %sub3A_13, %rsqrt3A : vector<1x128xf32>
    %mul3A_28 = arith.mulf %sub3A_14, %rsqrt3A : vector<1x128xf32>
    %get3A_29 = arith.constant 0 : index
    %get3A_30 = arith.constant 0 : index
    %get3A_31 = vector.load %arg3[%get3A_29, %get3A_30] : memref<256x3xf32, #tpu.memory_space<vmem>>, vector<256x3xf32>
    %slice3A = vector.extract_strided_slice %get3A_31 {offsets = [0, 0], sizes = [256, 1], strides = [1, 1]} : vector<256x3xf32> to vector<256x1xf32>
    %mul3A_32 = vector.broadcast %slice3A : vector<256x1xf32> to vector<256x128xf32>
    %mul3A_33 = vector.broadcast %mul3A_26 : vector<1x128xf32> to vector<256x128xf32>
    %mul3A_34 = arith.mulf %mul3A_32, %mul3A_33 : vector<256x128xf32>
    %slice3A_35 = vector.extract_strided_slice %get3A_31 {offsets = [0, 1], sizes = [256, 1], strides = [1, 1]} : vector<256x3xf32> to vector<256x1xf32>
    %mul3A_36 = vector.broadcast %slice3A_35 : vector<256x1xf32> to vector<256x128xf32>
    %mul3A_37 = vector.broadcast %mul3A_27 : vector<1x128xf32> to vector<256x128xf32>
    %mul3A_38 = arith.mulf %mul3A_36, %mul3A_37 : vector<256x128xf32>
    %add3A_39 = arith.addf %mul3A_34, %mul3A_38 : vector<256x128xf32>
    %slice3A_40 = vector.extract_strided_slice %get3A_31 {offsets = [0, 2], sizes = [256, 1], strides = [1, 1]} : vector<256x3xf32> to vector<256x1xf32>
    %mul3A_41 = vector.broadcast %slice3A_40 : vector<256x1xf32> to vector<256x128xf32>
    %mul3A_42 = vector.broadcast %mul3A_28 : vector<1x128xf32> to vector<256x128xf32>
    %mul3A_43 = arith.mulf %mul3A_41, %mul3A_42 : vector<256x128xf32>
    %add3A_44 = arith.addf %add3A_39, %mul3A_43 : vector<256x128xf32>
    %get3A_45 = arith.constant 0 : index
    %get3A_46 = arith.constant 0 : index
    %get3A_47 = vector.load %arg4[%get3A_45, %get3A_46] : memref<256x1xf32, #tpu.memory_space<vmem>>, vector<256x1xf32>
    %add3A_48 = vector.broadcast %get3A_47 : vector<256x1xf32> to vector<256x128xf32>
    %add3A_49 = arith.addf %add3A_44, %add3A_48 : vector<256x128xf32>
    %mul3A_50 = arith.constant 5.000000e-01 : f32
    %mul3A_51 = vector.broadcast %mul3A_50 : f32 to vector<256x128xf32>
    %mul3A_52 = arith.mulf %mul3A_51, %add3A_49 : vector<256x128xf32>
    %mul3A_53 = arith.constant 0.707106769 : f32
    %mul3A_54 = vector.broadcast %mul3A_53 : f32 to vector<256x128xf32>
    %mul3A_55 = arith.mulf %add3A_49, %mul3A_54 : vector<256x128xf32>
    %erf3A = math.erf %mul3A_55 : vector<256x128xf32>
    %add3A_56 = arith.constant 1.000000e+00 : f32
    %add3A_57 = vector.broadcast %add3A_56 : f32 to vector<256x128xf32>
    %add3A_58 = arith.addf %add3A_57, %erf3A : vector<256x128xf32>
    %mul3A_59 = arith.mulf %mul3A_52, %add3A_58 : vector<256x128xf32>
    %get3A_60 = arith.constant 0 : index
    %get3A_61 = arith.constant 0 : index
    %get3A_62 = vector.load %arg5[%get3A_60, %get3A_61] : memref<64x256xf32, #tpu.memory_space<vmem>>, vector<64x256xf32>
    %dot_general3A = arith.constant dense<0.000000e+00> : vector<64x128xf32>
    %dot_general3A_63 = tpu.matmul %get3A_62, %mul3A_59, %dot_general3A {dimension_numbers = #tpu.dot_dimension_numbers<[1], [0], [0], [1], [0, 0, 1, 1], [], []>, transpose_lhs_hint = false} : vector<64x256xf32>, vector<256x128xf32>, vector<64x128xf32> -> vector<64x128xf32>
    %get3A_64 = arith.constant 0 : index
    %get3A_65 = arith.constant 0 : index
    %get3A_66 = vector.load %arg6[%get3A_64, %get3A_65] : memref<64x1xf32, #tpu.memory_space<vmem>>, vector<64x1xf32>
    %add3A_67 = vector.broadcast %get3A_66 : vector<64x1xf32> to vector<64x128xf32>
    %add3A_68 = arith.addf %dot_general3A_63, %add3A_67 : vector<64x128xf32>
    %transpose3A = tpu.transpose %add3A_68, [1, 0] : vector<64x128xf32> -> vector<128x64xf32>
    %get3A_69 = arith.constant 0 : index
    %get3A_70 = arith.constant 0 : index
    %get3A_71 = arith.constant 0 : index
    %get3A_72 = vector.load %arg2[%get3A_69, %get3A_70, %get3A_71] : memref<1x128x64xf32, #tpu.memory_space<vmem>>, vector<1x128x64xf32>
    %reshape3A_73 = vector.shape_cast %get3A_72 : vector<1x128x64xf32> to vector<128x64xf32>
    %add3A_74 = arith.addf %transpose3A, %reshape3A_73 : vector<128x64xf32>
    %reshape3A_75 = vector.shape_cast %add3A_74 : vector<128x64xf32> to vector<1x128x64xf32>
    %swap3A = arith.constant 0 : index
    %swap3A_76 = arith.constant 0 : index
    %swap3A_77 = arith.constant 0 : index
    %swap3A_78 = vector.load %arg7[%swap3A, %swap3A_76, %swap3A_77] : memref<1x128x64xf32, #tpu.memory_space<vmem>>, vector<1x128x64xf32>
    tpu.vector_store %arg7[%swap3A, %swap3A_76, %swap3A_77], %reshape3A_75 {strides = array<i32>} : memref<1x128x64xf32, #tpu.memory_space<vmem>>, vector<1x128x64xf32>,
    return
  }
  func.func @transform_0(%arg0: i32) -> (i32, i32, i32) {
    %c0_i32 = arith.constant 0 : i32
    %c0_i32_0 = arith.constant 0 : i32
    %c0_i32_1 = arith.constant 0 : i32
    return %arg0, %c0_i32, %c0_i32_0 : i32, i32, i32
  }
  func.func @transform_1(%arg0: i32) -> (i32, i32, i32) {
    %c0_i32 = arith.constant 0 : i32
    %c0_i32_0 = arith.constant 0 : i32
    %c0_i32_1 = arith.constant 0 : i32
    return %arg0, %c0_i32, %c0_i32_0 : i32, i32, i32
  }
  func.func @transform_2(%arg0: i32) -> (i32, i32) {
    %c0_i32 = arith.constant 0 : i32
    %c0_i32_0 = arith.constant 0 : i32
    %c0_i32_1 = arith.constant 0 : i32
    return %c0_i32, %c0_i32_0 : i32, i32
  }
  func.func @transform_3(%arg0: i32) -> (i32, i32) {
    %c0_i32 = arith.constant 0 : i32
    %c0_i32_0 = arith.constant 0 : i32
    %c0_i32_1 = arith.constant 0 : i32
    return %c0_i32, %c0_i32_0 : i32, i32
  }
  func.func @transform_4(%arg0: i32) -> (i32, i32) {
    %c0_i32 = arith.constant 0 : i32
    %c0_i32_0 = arith.constant 0 : i32
    %c0_i32_1 = arith.constant 0 : i32
    return %c0_i32, %c0_i32_0 : i32, i32
  }
  func.func @transform_5(%arg0: i32) -> (i32, i32) {
    %c0_i32 = arith.constant 0 : i32
    %c0_i32_0 = arith.constant 0 : i32
    %c0_i32_1 = arith.constant 0 : i32
    return %c0_i32, %c0_i32_0 : i32, i32
  }
  func.func @transform_6(%arg0: i32) -> (i32, i32, i32) {
    %c0_i32 = arith.constant 0 : i32
    %c0_i32_0 = arith.constant 0 : i32
    %c0_i32_1 = arith.constant 0 : i32
    return %arg0, %c0_i32, %c0_i32_0 : i32, i32, i32
  }
}

</mosaic_0001>

<sc_bundles>
// kernel: kernel.5.cloned.1.call-start
scs
__scs_entry_jumppad:
0x0: {  	(pc) =	sbr.rel $0x88, $3  }
0x1: {  	(tag) =	ssettag $0x0;
	lr =	simm.s32 $0x1  }
0x2: {  	[smem:$0x3F99] =	sst lr;
	_ =	strace $0xD0000000  }
0x3: {  	_ = 	snop  }
0x4: {  	_ = 	snop  }
0x5: {  	_ = 	snop  }
0x6: {  	_ = 	snop  }
0x7: {  	_ = 	snop  }
__scs_overlays_trampoline_lowered:
0x8: {  	[smem:$0x3FA8] =	sst s0  }
0x9: {  	[smem:$0x3FA9] =	sst s1  }
0xa: {  	[smem:$0x3FAA] =	sst s2  }
0xb: {  	[smem:$0x3FAB] =	sst s3  }
0xc: {  	[smem:$0x3FAC] =	sst s4  }
0xd: {  	[smem:$0x3FAD] =	sst s5  }
0xe: {  	[smem:$0x3FAE] =	sst s6  }
0xf: {  	[smem:$0x3FAF] =	sst s7  }
0x10: {  	[smem:$0x3FB0] =	sst s8  }
0x11: {  	[smem:$0x3FB1] =	sst s9;
	s0 =	simm.s32 @!p0 $0x0  }
0x12: {  	s1 =	sld [smem:$0x3F97];
	s0 =	simm.s32 @p0 $0x1  }
0x13: {  	[smem:$0x3FB2] =	sst s0;
	s0 =	simm.s32 @!p1 $0x0  }
0x14: {  	s2 =	sld [smem:$0x3F96];
	s0 =	simm.s32 @p1 $0x1  }
0x15: {  	[smem:$0x3FB3] =	sst s0;
	s0 =	simm.s32 @!p2 $0x0  }
0x16: {  	s3 =	sld [smem:$0x3FDB];
	s0 =	simm.s32 @p2 $0x1  }
0x17: {  	s4 =	simm.s32 $0x1BF5;
	[smem:$0x3FB5] =	sst s0  }
0x18: {  	s0 =	sld [smem:$0x3F98];
	_ =	swait.ge [sflag:s4], $0x0  }
0x19: {  	s7 =	sld [smem:$0x3F99]  }
0x1a: {  	s8 =	sadd.s32 $0xFFFFE003, lr  }
0x1b: {  	s9 =	sadd.s32 $0xFFFFFEF7, lr;
	s5 =	simm.s32 $0xFFFFFFFF;
	p2 =	slt.u32 s8, $0xFFFFF086  }
0x1c: {  	p1 =	slt.u32 s9, $0xF7A;
	s5 =	simm.s32 @!p2 $0x0  }
0x1d: {  	s5 =	simm.s32 @p1 $0x1;
	p0 =	seq.s32 s7, s2  }
0x1e: {  	s7 =	smul.u32 @!p0 $0xF7A, s2;
	p2 =	seq.s32 @!p0 s5, $0x0  }
0x1f: {  	s9 =	smul.u32 $0xF7A, s1;
	s8 =	simm.s32 @!p0 $0x1BF5;
	p2 =	por !p2, p0  }
0x20: {  	[sflag:s8] =	ssyncset.s32 @!p0 $0xFFFFF086;
	s6 =	sadd.s32 @!p0 s3, s7;
	s7 =	simm.s32 @!p0 $0x108  }
0x21: {  	s3 =	sadd.s32 s3, s9;
	s6 =	sadd.s32 @!p0 $0x88, s6;
	s7 =	simm.s32 @p2 $0x1082  }
0x22: {  	[simem:s7], [sflag:s8] =	dma.local @!p0 [hbm:s6], $0xF7A  }
0x23: {  	s9 =	sor.u32 $0xD0000000, s2;
	s6 =	simm.s32 $0x108;
	_ =	swait.ge @!p0 [sflag:s8], $0x0  }
0x24: {  	s3 =	sadd.s32 $0x88, s3;
	s6 =	simm.s32 @!p1 $0x1082;
	[sflag:s4] =	ssyncset.s32 $0xFFFFF086  }
0x25: {  	[simem:s6], [sflag:s4] =	dma.local [hbm:s3], $0xF7A  }
0x26: {  	[smem:$0x3F99] =	sst s1;
	(tag) =	ssettag s2;
	_ =	strace s9  }
0x27: {  	s1 =	sld [smem:$0x3FA9]  }
0x28: {  	s2 =	sld [smem:$0x3FAA]  }
0x29: {  	s4 =	sld [smem:$0x3FAC]  }
0x2a: {  	p0 =	seq.s32 s5, $0x0;
	s5 =	sld [smem:$0x3FAD]  }
0x2b: {  	s6 =	sld [smem:$0x3FAE]  }
0x2c: {  	s7 =	sld [smem:$0x3FAF]  }
0x2d: {  	s3 =	simm.s32 $0x108;
	s8 =	sld [smem:$0x3FB0]  }
0x2e: {  	s3 =	simm.s32 @!p0 $0x1082;
	s9 =	sld [smem:$0x3FB1]  }
0x2f: {  	lr =	sadd.s32 s0, s3;
	s0 =	sld [smem:$0x3FA8]  }
0x30: {  	s3 =	sld [smem:$0x3FAB]  }
0x31: {  	[smem:$0x3FB4] =	sst s10  }
0x32: {  	s10 =	sld [smem:$0x3FB2];
	_ =	sdelay $0x3  }
0x33: {  	p0 =	seq.s32 s10, $0x1;
	s10 =	sld [smem:$0x3FB4];
	_ =	sdelay $0x3  }
0x34: {  	[smem:$0x3FB4] =	sst s10  }
0x35: {  	s10 =	sld [smem:$0x3FB3];
	_ =	sdelay $0x3  }
0x36: {  	p1 =	seq.s32 s10, $0x1;
	s10 =	sld [smem:$0x3FB4];
	_ =	sdelay $0x3  }
0x37: {  	[smem:$0x3FB4] =	sst s10  }
0x38: {  	s10 =	sld [smem:$0x3FB5]  }
0x39: {  	_ = 	snop;
	(pc) =	sbr.ind lr, $3  }
0x3a: {  	_ = 	snop  }
0x3b: {  	_ = 	snop  }
0x3c: {  	p2 =	seq.s32 s10, $0x1;
	s10 =	sld [smem:$0x3FB4]  }
0x3d: {  	_ =	shalt  }
0x3e: {  	_ =	shalt  }
0x3f: {  	_ =	shalt  }
0x40: {  	_ =	shalt  }
0x41: {  	_ =	shalt  }
0x42: {  	_ =	shalt  }
0x43: {  	_ =	shalt  }
0x44: {  	_ =	shalt  }
0x45: {  	_ =	shalt  }
0x46: {  	_ =	shalt  }
0x47: {  	_ =	shalt  }
0x48: {  	_ =	shalt  }
0x49: {  	_ =	shalt  }
0x4a: {  	_ =	shalt  }
0x4b: {  	_ =	shalt  }
0x4c: {  	_ =	shalt  }
0x4d: {  	_ =	shalt  }
0x4e: {  	_ =	shalt  }
0x4f: {  	_ =	shalt  }
0x50: {  	_ =	shalt  }
0x51: {  	_ =	shalt  }
0x52: {  	_ =	shalt  }
0x53: {  	_ =	shalt  }
0x54: {  	_ =	shalt  }
0x55: {  	_ =	shalt  }
0x56: {  	_ =	shalt  }
0x57: {  	_ =	shalt  }
0x58: {  	_ =	shalt  }
0x59: {  	_ =	shalt  }
0x5a: {  	_ =	shalt  }
0x5b: {  	_ =	shalt  }
0x5c: {  	_ =	shalt  }
0x5d: {  	_ =	shalt  }
0x5e: {  	_ =	shalt  }
0x5f: {  	_ =	shalt  }
0x60: {  	_ =	shalt  }
0x61: {  	_ =	shalt  }
0x62: {  	_ =	shalt  }
0x63: {  	_ =	shalt  }
0x64: {  	_ =	shalt  }
0x65: {  	_ =	shalt  }
0x66: {  	_ =	shalt  }
0x67: {  	_ =	shalt  }
0x68: {  	_ =	shalt  }
0x69: {  	_ =	shalt  }
0x6a: {  	_ =	shalt  }
0x6b: {  	_ =	shalt  }
0x6c: {  	_ =	shalt  }
0x6d: {  	_ =	shalt  }
0x6e: {  	_ =	shalt  }
0x6f: {  	_ =	shalt  }
0x70: {  	_ =	shalt  }
0x71: {  	_ =	shalt  }
0x72: {  	_ =	shalt  }
0x73: {  	_ =	shalt  }
0x74: {  	_ =	shalt  }
0x75: {  	_ =	shalt  }
0x76: {  	_ =	shalt  }
0x77: {  	_ =	shalt  }
0x78: {  	_ =	shalt  }
0x79: {  	_ =	shalt  }
0x7a: {  	_ =	shalt  }
0x7b: {  	_ =	shalt  }
0x7c: {  	_ =	shalt  }
0x7d: {  	_ =	shalt  }
0x7e: {  	_ =	shalt  }
0x7f: {  	_ =	shalt  }
0x80: {  	_ =	shalt  }
0x81: {  	_ =	shalt  }
0x82: {  	_ =	shalt  }
0x83: {  	_ =	shalt  }
0x84: {  	_ =	shalt  }
0x85: {  	_ =	shalt  }
0x86: {  	_ =	shalt  }
0x87: {  	_ =	shalt  }
.Lfunc_end0:
.L_simem_size_0:
called_computation_lowered:
.L_overlay_start_0:
0x88: {  	s2 =	sld [smem:$0x3FD9]  }
0x89: {  	s3 =	sld [smem:$0x3FFE];
	_ =	sdelay $0x1  }
0x8a: {  	s1 =	srdreg.scid  }
0x8b: {  	s0 =	sand.u32 $0x1, s1  }
0x8c: {  	s17 =	sshll.u32 s0, $0xA;
	s2 =	sadd.s32 s3, s2  }
0x8d: {  	s2 =	sadd.s32 s2, s17  }
0x8e: {  	[smem:$0x3FC0] =	sst s2  }
0x8f: {  	_ = 	snop  }
0x90: {  	s2 =	sld [smem:$0x3FD0];
	(tm) =	ssettm $0x1  }
0x91: {  	s18 =	sld [smem:$0x3FFB];
	_ =	sdelay $0x3  }
0x92: {  	_ =	strace s18  }
0x93: {  	s3 =	sld [smem:$0x3FFC];
	_ =	sdelay $0x3  }
0x94: {  	_ =	strace s3  }
0x95: {  	s3 =	sld [smem:$0x3FFD];
	_ =	sdelay $0x3  }
0x96: {  	_ =	strace s3  }
0x97: {  	_ =	strace $0x8FFFFFFF  }
0x98: {  	s19 =	sld [smem:$0x3FDB];
	_ =	sdelay $0x1  }
0x99: {  	s4 =	simm.s32 $_scs_section_size  }
0x9a: {  	s5 =	simm.s32 $_size__tile_overlayer_lowered;
	s6 =	simm.s32 $_tile_overlayer_lowered  }
0x9b: {  	s22 =	simm.s32 $0x1BFF;
	s21 =	sshll.u32 s6, $0x1;
	s3 =	sadd.s32 s4, s19  }
0x9c: {  	s7 =	simm.s32 $0x0;
	s20 =	sshll.u32 s5, $0x1;
	s5 =	sadd.s32 s21, s3  }
0x9d: {  	[timem:s7], [sflag:s22] =	dma.local [hbm:s5], s20  }
0x9e: {  	_ =	swait.ge [sflag:s22], s20  }
0x9f: {  	s4 =	ssub.s32 $0x0, s20;
	[sflag:s22] =	ssyncset.done $0x0  }
0xa0: {  	[sflag:s22] =	ssyncadd.s32 s4;
	_ =	sdelay $0x1  }
0xa1: {  	s23 =	simm.s32 $0x1B8B  }
0xa2: {  	_ =	swait.ge [sflag:s23], $0x1  }
0xa3: {  	[sflag:s23] =	ssyncset.done $0x0  }
0xa4: {  	s25 =	simm.s32 $0x1B8E;
	s24 =	sld [smem:$0x3FFE];
	[sflag:s23] =	ssyncadd.s32 $0xFFFFFFFF  }
0xa5: {  	s26 =	simm.s32 $execute0_lowered;
	[smem:$0x3FD2] =	sst s25  }
0xa6: {  	s5 =	sshll.u32 s26, $0x1;
	_ =	strace $0x80000046;
	[dreg:$0x1] =	wrdreg $0xFFFFFFFF  }
0xa7: {  	s28 =	simm.s32 $_size_execute0_lowered;
	s3 =	sadd.s32 s3, s5;
	[dreg:$0x0] =	wrdreg $0x0  }
0xa8: {  	s5 =	sshll.u32 s28, $0x1;
	[dreg:$0x2] =	wrdreg s3  }
0xa9: {  	[dreg:$0x3] =	wrdreg s5  }
0xaa: {  	[dreg:$0x4] =	wrdreg $0xC0  }
0xab: {  	_ =	task [dreg:s7], $0x5FFFF  }
0xac: {  	[dreg:$0x1] =	wrdreg $0xFFFFFFFF  }
0xad: {  	[dreg:$0x0] =	wrdreg $0x60  }
0xae: {  	[dreg:$0x2] =	wrdreg s24  }
0xaf: {  	[dreg:$0x3] =	wrdreg s2  }
0xb0: {  	[dreg:$0x4] =	wrdreg $0x9  }
0xb1: {  	_ =	task.clear_ibuf [dreg:s7], $0x5FFFF;
	_ =	strace $0x90000046  }
0xb2: {  	s29 =	simm.s32 $0x9;
	_ =	strace $0x80000048  }
0xb3: {  	_ =	swait.ge [sflag:s29], $0x1  }
0xb4: {  	[sflag:s29] =	ssyncadd.s32 $0xFFFFFFFF  }
0xb5: {  	_ =	strace $0x90000048  }
0xb6: {  	_ =	sfence  }
0xb7: {  	s30 =	sld [smem:$0x0];
	_ =	sdelay $0x2  }
0xb8: {  	s31 =	sshll.u32 s1, $0xD;
	s1 =	sshrl.u32 s1, $0x2  }
0xb9: {  	s3 =	sand.u32 $0x4000, s31;
	s1 =	sadd.s32 s1, s30  }
0xba: {  	s0 =	sor.u32 s3, s0;
	s1 =	sshll.u32 s1, $0x11  }
0xbb: {  	s0 =	sor.u32 s1, s0  }
0xbc: {  	s0 =	sadd.s32 $0x8F2B, s0  }
0xbd: {  	[sflag:s0] =	ssyncadd.remote.s32 $0x1  }
0xbe: {  	_ =	sfence.sel $0xFFFF  }
0xbf: {  	[dreg:$0x0] =	wrdreg $0xFFFFFFFF;
	(pc) =	sbr.abs _section_cstart, $3  }
0xc0: {  	[dreg:$0x1] =	wrdreg $0xFFFFFFFF  }
0xc1: {  	_ =	task.clear_ibuf [dreg:s7], $0x2FFFF;
	_ =	strace $0x9FFFFFFF  }
0xc2: {  	(tm) =	ssettm $0x7FFFFFFF  }
0xc3: {  	_ =	shalt  }
tec
execute0_lowered:
.L_overlay_start_1:
0x0: {  	(tag) =	ssettag $0x1  }
0x1: {  	s4 =	rddreg [dreg:$0x0]  }
0x2: {  	s5 =	rddreg [dreg:$0x1]  }
0x3: {  	s0 =	rddreg [dreg:$0x2];
	s3 =	srdreg.scid  }
0x4: {  	s2 =	simm.s32 $0x0;
	s1 =	stileid.u32;
	s10 =	simm.s32 $0x0  }
0x5: {  	s6 =	sand.u32 $0x1, s3;
	[smem:$0x7FF] =	sst s2;
	s29 =	sshll.u32 s1, $0xD  }
0x6: {  	s3 =	sadd.s32 $0x18C000, s4;
	s31 =	sshll.u32 s1, $0x10;
	s7 =	sshll.u32 s6, $0xC  }
0x7: {  	_ =	strace $0x80000047;
	s8 =	ssub.s32 $0x2, s6;
	s5 =	sadd.s32 s31, s5  }
0x8: {  	s6 =	sshll.u32 s6, $0xF;
	s7 =	sor.u32 s7, s29;
	s9 =	sshrl.u32 s8, $0x1  }
0x9: {  	s5 =	sadd.s32 s6, s5;
	s7 =	sshrl.u32 s7, $0x3;
	s30 =	ssub.s32 s8, s9  }
0xa: {  	s8 =	simm.s32 $0x80;
	s9 =	simm.s32 $0x1;
	s7 =	sadd.s32 s7, s4  }
0xb: {  	s4 =	smax.u32 s30, $0x1;
	s6 =	sadd.s32 $0x1600, s7;
	s7 =	simm.s32 $0x2  }
.LBB2_1:
0xc: {  	s11 =	sadd.s32 $0x0, s6  }
0xd: {  	[tilespmem:s2], [sflag:$0x2] =	stream.linear.gather [hbm4b:s11+s2], $0x80, $0x38;
	[tilespmem:$0x2080] =	vst v63  }
0xe: {  	_ =	swait.ge [sflag:s7], $0x80  }
0xf: {  	[sflag:s7] =	ssyncset.done $0x0  }
0x10: {  	[sflag:s7] =	ssyncadd.s32 $0xFFFFFF80  }
0x11: {  	[tilespmem:s8], [sflag:$0x1] =	stream.indirect.gather [hbm4b:s3+s8], $0x40, s2, s8, $0xb8;
	[tilespmem:$0x2080] =	vst v63  }
0x12: {  	_ =	swait.ge [sflag:s9], $0x2000  }
0x13: {  	[sflag:s9] =	ssyncset.done $0x0  }
0x14: {  	[sflag:s9] =	ssyncadd.s32 $0xFFFFE000  }
0x15: {  	[hbm4b:s5+s2] =	stream.linear.scatter [tilespmem:s8], [sflag:$0x2], $0x2000, $0x38;
	[tilespmem:$0x2080] =	vst v63  }
0x16: {  	s12 =	simm.s32 $0x10;
	_ =	swait.ge [sflag:s7], $0x2000  }
0x17: {  	s13 =	simm.s32 $0x20;
	s11 =	sadd.s32 $0x400, s5;
	[sflag:s7] =	ssyncset.done $0x0  }
.LBB2_2:
0x18: {  	s14 =	sadd.s32 s12, s6  }
0x19: {  	[sflag:s7] =	ssyncadd.s32 $0xFFFFE000;
	s12 =	smov.u32 s13;
	s15 =	sadd.s32 $0x10, s13  }
0x1a: {  	[tilespmem:s2], [sflag:$0x2] =	stream.linear.gather [hbm4b:s14+s2], $0x80, $0x38;
	[tilespmem:$0x2080] =	vst v63  }
0x1b: {  	p0 =	sne.s32 s13, $0x1F0;
	_ =	swait.ge [sflag:s7], $0x80  }
0x1c: {  	[sflag:s7] =	ssyncset.done $0x0  }
0x1d: {  	[sflag:s7] =	ssyncadd.s32 $0xFFFFFF80  }
0x1e: {  	[tilespmem:s8], [sflag:$0x1] =	stream.indirect.gather [hbm4b:s3+s8], $0x40, s2, s8, $0xb8;
	[tilespmem:$0x2080] =	vst v63  }
0x1f: {  	_ =	swait.ge [sflag:s9], $0x2000  }
.Ltmp0:
0x20: {  	[sflag:s9] =	ssyncset.done $0x0;
	(pc) =	sbr.rel @p0 .LBB2_2-.Ltmp0, $4  }
0x21: {  	[sflag:s9] =	ssyncadd.s32 $0xFFFFE000  }
0x22: {  	[hbm4b:s11+s2] =	stream.linear.scatter [tilespmem:s8], [sflag:$0x2], $0x2000, $0x38;
	[tilespmem:$0x2080] =	vst v63  }
0x23: {  	_ =	swait.ge [sflag:s7], $0x2000  }
0x24: {  	s13 =	smov.u32 s15;
	s11 =	sadd.s32 $0x400, s11;
	[sflag:s7] =	ssyncset.done $0x0  }
0x25: {  	s12 =	sadd.s32 s12, s6;
	[sflag:s7] =	ssyncadd.s32 $0xFFFFE000  }
0x26: {  	[tilespmem:s2], [sflag:$0x2] =	stream.linear.gather [hbm4b:s12+s2], $0x80, $0x38;
	[tilespmem:$0x2080] =	vst v63  }
0x27: {  	_ =	swait.ge [sflag:s7], $0x80  }
0x28: {  	[sflag:s7] =	ssyncset.done $0x0  }
0x29: {  	[sflag:s7] =	ssyncadd.s32 $0xFFFFFF80  }
0x2a: {  	[tilespmem:s8], [sflag:$0x1] =	stream.indirect.gather [hbm4b:s3+s8], $0x40, s2, s8, $0xb8;
	[tilespmem:$0x2080] =	vst v63  }
0x2b: {  	s10 =	sadd.s32 $0x1, s10;
	_ =	swait.ge [sflag:s9], $0x2000  }
0x2c: {  	p0 =	sne.s32 s10, s4;
	[sflag:s9] =	ssyncset.done $0x0  }
.Ltmp1:
0x2d: {  	[sflag:s9] =	ssyncadd.s32 $0xFFFFE000;
	(pc) =	sbr.rel @p0 .LBB2_1-.Ltmp1, $4  }
0x2e: {  	[hbm4b:s11+s2] =	stream.linear.scatter [tilespmem:s8], [sflag:$0x2], $0x2000, $0x38;
	[tilespmem:$0x2080] =	vst v63  }
0x2f: {  	_ =	swait.ge [sflag:s7], $0x2000  }
0x30: {  	[sflag:s7] =	ssyncset.done $0x0  }
0x31: {  	[sflag:s7] =	ssyncadd.s32 $0xFFFFE000  }
0x32: {  	_ =	sfence.sel $0x180000  }
0x33: {  	[bflag:$0x0] =	sbarrier.arrive $0xFFFF  }
0x34: {  	p0 =	sne.s32 s1, $0x0;
	_ =	strace $0x90000047  }
0x35: {  	s0 =	sadd.s32 @!p0 $0x100000, s0;
	[bflag:$0x2] =	sbarrier.arrive $0xFFFF  }
0x36: {  	[sflag:s0] =	ssyncadd.tile.s32 @!p0 $0x1;
	_ =	shalt  }
.Lfunc_end2:
_tile_overlayer_lowered:
.L_overlay_start_2:
0x37: {  	(tag) =	ssettag $0x2  }
0x38: {  	s0 =	rddreg [dreg:$0x0];
	s2 =	stileid.u32  }
0x39: {  	s1 =	rddreg [dreg:$0x1];
	p0 =	sne.s32 s2, $0x0  }
0x3a: {  	s3 =	rddreg [dreg:$0x2];
	[bflag:$0x3] =	sbarrier.arrive $0xFFFF;
	s2 =	simm.s32 @!p0 $0x1C02  }
0x3b: {  	[timem:s3], [sflag:s2] =	dma.local @!p0 [hbm:s0], s1  }
0x3c: {  	s0 =	simm.s32 @!p0 $0x2  }
0x3d: {  	_ =	swait.ge @!p0 [sflag:s0], s1  }
0x3e: {  	s1 =	ssub.s32 @!p0 $0x0, s1;
	[sflag:s0] =	ssyncset.done @!p0 $0x0  }
0x3f: {  	[sflag:s0] =	ssyncadd.s32 @!p0 s1  }
0x40: {  	[bflag:$0x3] =	sbarrier.arrive $0xFFFF  }
0x41: {  	_ =	shalt  }

</sc_bundles>
